<compile_context>
chip_gen: v7x
topology: tpu7x:2x2x1
jax: 0.10.2.dev20260603
libtpu: 0.0.44.dev20260713+nightly
codegen_flags: <defaults>
</compile_context>

<pallas_src>
import functools

import jax
import jax.numpy as jnp
from jax import lax
from jax.experimental import pallas as pl
from jax.experimental.pallas import tpu as pltpu
from jax.experimental.pallas import tpu_sc as plsc

N_NODES = 10000
N_PAD = 10240
N_EDGES = 320000
D = 128
DH = D // 2

EDGES_PER_TILE = N_EDGES // 16
CHUNK = 80
NCHUNK = EDGES_PER_TILE // CHUNK
HALF = NCHUNK // 2
ZROWS = N_PAD // 16
WB = 624
WB_LAST = N_NODES - 15 * WB


def _sc_segment_sum(x2, src, dst):
    mesh = plsc.VectorSubcoreMesh(core_axis_name="c", subcore_axis_name="s")

    @functools.partial(
        pl.kernel,
        out_type=[
            jax.ShapeDtypeStruct((2, N_NODES, DH), jnp.float32),
            jax.ShapeDtypeStruct((N_NODES, 16), jnp.float32),
        ],
        mesh=mesh,
        compiler_params=pltpu.CompilerParams(use_tc_tiling_on_sc=False),
        scratch_types=[
            pltpu.VMEM((NCHUNK + 2, CHUNK), jnp.int32),
            pltpu.VMEM((NCHUNK, CHUNK), jnp.int32),
            pltpu.VMEM((CHUNK, DH), jnp.float32),
            pltpu.VMEM((CHUNK, DH), jnp.float32),
            pltpu.VMEM((CHUNK, 16), jnp.float32),
            pltpu.VMEM((ZROWS // 2, 16), jnp.float32),
            pltpu.VMEM_SHARED((N_PAD, DH), jnp.float32),
            pltpu.VMEM_SHARED((N_PAD, 16), jnp.float32),
            pltpu.SemaphoreType.DMA,
            pltpu.SemaphoreType.DMA,
            pltpu.SemaphoreType.DMA,
            pltpu.SemaphoreType.DMA,
            pltpu.SemaphoreType.DMA,
        ],
    )
    def k(x_hbm, src_hbm, dst_hbm, sum_out, deg_out,
          src_blk, dst_blk, rows0, rows1, ones_v, z16_v, acc_sh, deg_sh,
          gsem0, gsem1, ssem0, ssem1, dsem):
        c = lax.axis_index("c")
        s = lax.axis_index("s")

        pltpu.sync_copy(src_hbm.at[pl.ds(s * NCHUNK, NCHUNK)],
                        src_blk.at[pl.ds(0, NCHUNK)])
        pltpu.sync_copy(dst_hbm.at[pl.ds(s * NCHUNK, NCHUNK)], dst_blk)

        SL = CHUNK // 16

        def _xform_row(j):
            for q in range(SL):
                sl = pl.ds(q * 16, 16)
                v = src_blk[j, sl]
                src_blk[j, sl] = v + v + c

        def xf(i, _):
            _xform_row(i)
            return 0
        lax.fori_loop(0, 2, xf, 0)

        def pf(i, _):
            src_blk[NCHUNK + i // SL, pl.ds((i % SL) * 16, 16)] = (
                jnp.zeros((16,), jnp.int32))
            return 0
        lax.fori_loop(0, 2 * SL, pf, 0)

        def zf(i, _):
            rows0[i // (DH // 16), pl.ds((i % (DH // 16)) * 16, 16)] = (
                jnp.zeros((16,), jnp.float32))
            return 0
        lax.fori_loop(0, CHUNK * (DH // 16), zf, 0)

        def zf16(i, _):
            z16_v[i, :] = jnp.zeros((16,), jnp.float32)
            return 0
        lax.fori_loop(0, ZROWS // 2, zf16, 0)

        def of(i, _):
            ones_v[i, :] = jnp.ones((16,), jnp.float32)
            return 0
        lax.fori_loop(0, CHUNK, of, 0)

        zbase = s * ZROWS
        for r in range(ZROWS // CHUNK):
            pltpu.sync_copy(rows0, acc_sh.at[pl.ds(zbase + r * CHUNK, CHUNK)])
        pltpu.sync_copy(z16_v, deg_sh.at[pl.ds(zbase, ZROWS // 2)])
        pltpu.sync_copy(z16_v, deg_sh.at[pl.ds(zbase + ZROWS // 2, ZROWS // 2)])

        pltpu.async_copy(x_hbm.at[src_blk.at[0]], rows0, gsem0)
        pltpu.async_copy(x_hbm.at[src_blk.at[1]], rows1, gsem1)
        plsc.subcore_barrier()

        def step(g, _):
            e0 = 2 * g
            e1 = e0 + 1
            pltpu.make_async_copy(x_hbm.at[src_blk.at[e0]], rows0, gsem0).wait()
            pltpu.async_copy(rows0, acc_sh.at[dst_blk.at[e0]], ssem0, add=True)

            @pl.when(c == 0)
            def _():
                pltpu.async_copy(ones_v, deg_sh.at[dst_blk.at[e0]], dsem,
                                 add=True)

            pltpu.make_async_copy(x_hbm.at[src_blk.at[e1]], rows1, gsem1).wait()
            pltpu.async_copy(rows1, acc_sh.at[dst_blk.at[e1]], ssem1, add=True)

            @pl.when(c == 0)
            def _():
                pltpu.async_copy(ones_v, deg_sh.at[dst_blk.at[e1]], dsem,
                                 add=True)

            _xform_row(e0 + 2)
            pltpu.make_async_copy(rows0, acc_sh.at[dst_blk.at[e0]], ssem0).wait()
            pltpu.async_copy(x_hbm.at[src_blk.at[e0 + 2]], rows0, gsem0)
            _xform_row(e1 + 2)
            pltpu.make_async_copy(rows1, acc_sh.at[dst_blk.at[e1]], ssem1).wait()
            pltpu.async_copy(x_hbm.at[src_blk.at[e1 + 2]], rows1, gsem1)

            @pl.when(c == 0)
            def _():
                pltpu.make_async_copy(ones_v, deg_sh.at[dst_blk.at[e0]],
                                      dsem).wait()
                pltpu.make_async_copy(ones_v, deg_sh.at[dst_blk.at[e1]],
                                      dsem).wait()
            return 0
        lax.fori_loop(0, NCHUNK // 2, step, 0)

        pltpu.make_async_copy(x_hbm.at[src_blk.at[NCHUNK]], rows0, gsem0).wait()
        pltpu.make_async_copy(x_hbm.at[src_blk.at[NCHUNK + 1]], rows1,
                              gsem1).wait()
        plsc.subcore_barrier()

        rbase = s * WB

        @pl.when(s < 15)
        def _():
            pltpu.sync_copy(acc_sh.at[pl.ds(rbase, WB)],
                            sum_out.at[c, pl.ds(rbase, WB)])

            @pl.when(c == 0)
            def _():
                pltpu.sync_copy(deg_sh.at[pl.ds(rbase, WB)],
                                deg_out.at[pl.ds(rbase, WB)])

        @pl.when(s == 15)
        def _():
            pltpu.sync_copy(acc_sh.at[pl.ds(rbase, WB_LAST)],
                            sum_out.at[c, pl.ds(rbase, WB_LAST)])

            @pl.when(c == 0)
            def _():
                pltpu.sync_copy(deg_sh.at[pl.ds(rbase, WB_LAST)],
                                deg_out.at[pl.ds(rbase, WB_LAST)])

    return k(x2, src, dst)


def _tc_combine(x, sL, sR, dp, W_self, W_neigh, b):
    BLK = 1000
    grid = (N_NODES // BLK,)

    def body(x_ref, sl_ref, sr_ref, d_ref, ws_ref, wn_ref, b_ref, o_ref):
        inv = 1.0 / jnp.maximum(d_ref[:, 0:1], 1.0)
        h = jnp.concatenate([sl_ref[...], sr_ref[...]], axis=1) * inv
        o_ref[...] = (
            jnp.dot(x_ref[...], ws_ref[...], preferred_element_type=jnp.float32)
            + jnp.dot(h, wn_ref[...], preferred_element_type=jnp.float32)
            + b_ref[...]
        )

    return pl.pallas_call(
        body,
        grid=grid,
        in_specs=[
            pl.BlockSpec((BLK, D), lambda i: (i, 0)),
            pl.BlockSpec((BLK, DH), lambda i: (i, 0)),
            pl.BlockSpec((BLK, DH), lambda i: (i, 0)),
            pl.BlockSpec((BLK, 16), lambda i: (i, 0)),
            pl.BlockSpec((D, D), lambda i: (0, 0)),
            pl.BlockSpec((D, D), lambda i: (0, 0)),
            pl.BlockSpec((1, D), lambda i: (0, 0)),
        ],
        out_specs=pl.BlockSpec((BLK, D), lambda i: (i, 0)),
        out_shape=jax.ShapeDtypeStruct((N_NODES, D), jnp.float32),
    )(x, sL, sR, dp, W_self, W_neigh, b)


def kernel(x, edge_index, W_self, W_neigh, b):
    src2d = edge_index[0].astype(jnp.int32).reshape(N_EDGES // CHUNK, CHUNK)
    dst2d = edge_index[1].astype(jnp.int32).reshape(N_EDGES // CHUNK, CHUNK)
    x2 = x.reshape(2 * N_NODES, DH)
    sums, deg = _sc_segment_sum(x2, src2d, dst2d)
    return _tc_combine(x, sums[0], sums[1], deg,
                       W_self, W_neigh, b.reshape(1, D))

# --- scband reference (transcript-rebuilt; emitter-appended) ---
"""Pipeline reference for scband-gn-51891794870415 (READ-ONLY COPY).

The authoritative reference and input builder live on the scoring server;
editing this copy changes nothing except your own understanding.
"""

import jax, jax.numpy as jnp
import numpy as np

N_NODES = 10000
N_EDGES = 320000
D_IN = 128
D_OUT = 128


def setup_inputs(seed: int = 0) -> dict:
    key = jax.random.key(seed)
    k1, k2, k3, k4, k5 = jax.random.split(key, 5)
    x = jax.random.normal(k1, (N_NODES, D_IN), dtype=jnp.float32)
    edge_index = jax.random.randint(k2, (2, N_EDGES), 0, N_NODES, dtype=jnp.int64)
    # DGL SAGEConv params: fc_self (no bias), fc_neigh (no bias), plus bias term
    lim_self = 1.0 / np.sqrt(D_IN)
    W_self = jax.random.uniform(k3, (D_IN, D_OUT), dtype=jnp.float32, minval=-lim_self, maxval=lim_self)
    W_neigh = jax.random.uniform(k4, (D_IN, D_OUT), dtype=jnp.float32, minval=-lim_self, maxval=lim_self)
    b = jnp.zeros((D_OUT,), dtype=jnp.float32)
    return {"x": x, "edge_index": edge_index, "W_self": W_self, "W_neigh": W_neigh, "b": b}


def reference(x, edge_index, W_self, W_neigh, b):
    # DGL SAGEConv with aggregator_type='mean':
    #   h_neigh = mean over in-neighbors of x[src]
    #   out = fc_self(x) + fc_neigh(h_neigh) + bias
    src = edge_index[0]
    dst = edge_index[1]
    msg = jnp.take(x, src, axis=0)  # gather src features [E, D]
    summed = jax.ops.segment_sum(msg, dst, num_segments=N_NODES)
    deg = jax.ops.segment_sum(jnp.ones((N_EDGES,), dtype=x.dtype), dst, num_segments=N_NODES)
    h_neigh = summed / jnp.clip(deg, 1.0, None)[:, None]  # zero in-degree -> 0
    out = x @ W_self + h_neigh @ W_neigh + b
    return out

if __name__ == "__main__":
    import jax
    _d = setup_inputs()
    print(jax.jit(kernel)(*tuple(_d.values())))

</pallas_src>

<mosaic_0001>
#map = affine_map<(d0, d1) -> (0, 0)>
#map1 = affine_map<(d0, d1) -> (0, 0, 0)>
module attributes {stable_mosaic.version = 14 : i64} {
  func.func @k(%arg0: i32, %arg1: i32, %arg2: memref<20000x64xf32, #tpu.memory_space<hbm>>, %arg3: memref<4000x80xi32, #tpu.memory_space<hbm>>, %arg4: memref<4000x80xi32, #tpu.memory_space<hbm>>, %arg5: memref<2x10000x64xf32, #tpu.memory_space<hbm>>, %arg6: memref<10000x16xf32, #tpu.memory_space<hbm>>, %arg7: memref<252x80xi32, #tpu.memory_space<vmem>>, %arg8: memref<250x80xi32, #tpu.memory_space<vmem>>, %arg9: memref<80x64xf32, #tpu.memory_space<vmem>>, %arg10: memref<80x64xf32, #tpu.memory_space<vmem>>, %arg11: memref<80x16xf32, #tpu.memory_space<vmem>>, %arg12: memref<320x16xf32, #tpu.memory_space<vmem>>, %arg13: memref<10240x64xf32, #tpu.memory_space<vmem_shared>>, %arg14: memref<10240x16xf32, #tpu.memory_space<vmem_shared>>, %arg15: memref<!tpu.dma_semaphore, #tpu.memory_space<semaphore_mem>>, %arg16: memref<!tpu.dma_semaphore, #tpu.memory_space<semaphore_mem>>, %arg17: memref<!tpu.dma_semaphore, #tpu.memory_space<semaphore_mem>>, %arg18: memref<!tpu.dma_semaphore, #tpu.memory_space<semaphore_mem>>, %arg19: memref<!tpu.dma_semaphore, #tpu.memory_space<semaphore_mem>>) attributes {dimension_semantics = [#tpu.dimension_semantics<core_parallel>, #tpu.dimension_semantics<subcore_parallel>], iteration_bounds = array<i64: 2, 16>, scalar_prefetch = 0 : i64, scratch_operands = 13 : i64, tpu.core_type = #tpu.core_type<sc_vector_subcore>, window_params = [{transform_indices = #map}, {transform_indices = #map}, {transform_indices = #map}, {transform_indices = #map1}, {transform_indices = #map}]} {
    %mul3A = arith.constant 250 : i32
    %mul3A_0 = arith.muli %arg1, %mul3A : i32
    "tpu.region"() ({
      %run_scoped3A = tpu.sem_alloc : memref<!tpu.dma_semaphore, #tpu.memory_space<semaphore_mem>>
      %dma_start3A_98 = arith.constant 0 : i32
      %dma_start3A_99 = arith.constant 0 : i32
      %dma_start3A_100 = tpu.memref_slice %arg7[%dma_start3A_98, %dma_start3A_99] : memref<252x80xi32, #tpu.memory_space<vmem>> -> memref<250x80xi32, #tpu.memory_space<vmem>>
      %dma_start3A_101 = arith.constant 0 : i32
      %dma_start3A_102 = tpu.memref_slice %arg3[%mul3A_0, %dma_start3A_101] : memref<4000x80xi32, #tpu.memory_space<hbm>> -> memref<250x80xi32, #tpu.memory_space<hbm>>
      %dma_start3A_103 = arith.constant 0 : i32
      %dma_start3A_104 = arith.constant 0 : i32
      %dma_start3A_105 = tpu.memref_slice %arg7[%dma_start3A_103, %dma_start3A_104] : memref<252x80xi32, #tpu.memory_space<vmem>> -> memref<250x80xi32, #tpu.memory_space<vmem>>
      %dma_start3A_106 = arith.constant 0 : i32
      %dma_start3A_107 = tpu.memref_slice %arg3[%mul3A_0, %dma_start3A_106] : memref<4000x80xi32, #tpu.memory_space<hbm>> -> memref<250x80xi32, #tpu.memory_space<hbm>>
      tpu.enqueue_dma source(%dma_start3A_107 : memref<250x80xi32, #tpu.memory_space<hbm>>) target(%dma_start3A_105 : memref<250x80xi32, #tpu.memory_space<vmem>>) target_semaphore(%run_scoped3A : memref<!tpu.dma_semaphore, #tpu.memory_space<semaphore_mem>>)
      %dma_wait3A_108 = arith.constant 0 : i32
      %dma_wait3A_109 = arith.constant 0 : i32
      %dma_wait3A_110 = tpu.memref_slice %arg7[%dma_wait3A_108, %dma_wait3A_109] : memref<252x80xi32, #tpu.memory_space<vmem>> -> memref<250x80xi32, #tpu.memory_space<vmem>>
      %dma_wait3A_111 = arith.constant 0 : i32
      %dma_wait3A_112 = tpu.memref_slice %arg3[%mul3A_0, %dma_wait3A_111] : memref<4000x80xi32, #tpu.memory_space<hbm>> -> memref<250x80xi32, #tpu.memory_space<hbm>>
      %dma_wait3A_113 = arith.constant 0 : i32
      %dma_wait3A_114 = arith.constant 0 : i32
      %dma_wait3A_115 = tpu.memref_slice %arg7[%dma_wait3A_113, %dma_wait3A_114] : memref<252x80xi32, #tpu.memory_space<vmem>> -> memref<250x80xi32, #tpu.memory_space<vmem>>
      %dma_wait3A_116 = arith.constant 0 : i32
      %dma_wait3A_117 = tpu.memref_slice %arg3[%mul3A_0, %dma_wait3A_116] : memref<4000x80xi32, #tpu.memory_space<hbm>> -> memref<250x80xi32, #tpu.memory_space<hbm>>
      tpu.wait_dma2 semaphore(%run_scoped3A : memref<!tpu.dma_semaphore, #tpu.memory_space<semaphore_mem>>) src(%dma_wait3A_117 : memref<250x80xi32, #tpu.memory_space<hbm>>) dst(%dma_wait3A_115 : memref<250x80xi32, #tpu.memory_space<vmem>>)
      tpu.yield
    }) : () -> ()
    %mul3A_1 = arith.constant 250 : i32
    %mul3A_2 = arith.muli %arg1, %mul3A_1 : i32
    "tpu.region"() ({
      %run_scoped3A = tpu.sem_alloc : memref<!tpu.dma_semaphore, #tpu.memory_space<semaphore_mem>>
      %dma_start3A_98 = arith.constant 0 : i32
      %dma_start3A_99 = tpu.memref_slice %arg4[%mul3A_2, %dma_start3A_98] : memref<4000x80xi32, #tpu.memory_space<hbm>> -> memref<250x80xi32, #tpu.memory_space<hbm>>
      %dma_start3A_100 = arith.constant 0 : i32
      %dma_start3A_101 = tpu.memref_slice %arg4[%mul3A_2, %dma_start3A_100] : memref<4000x80xi32, #tpu.memory_space<hbm>> -> memref<250x80xi32, #tpu.memory_space<hbm>>
      tpu.enqueue_dma source(%dma_start3A_101 : memref<250x80xi32, #tpu.memory_space<hbm>>) target(%arg8 : memref<250x80xi32, #tpu.memory_space<vmem>>) target_semaphore(%run_scoped3A : memref<!tpu.dma_semaphore, #tpu.memory_space<semaphore_mem>>)
      %dma_wait3A_102 = arith.constant 0 : i32
      %dma_wait3A_103 = tpu.memref_slice %arg4[%mul3A_2, %dma_wait3A_102] : memref<4000x80xi32, #tpu.memory_space<hbm>> -> memref<250x80xi32, #tpu.memory_space<hbm>>
      %dma_wait3A_104 = arith.constant 0 : i32
      %dma_wait3A_105 = tpu.memref_slice %arg4[%mul3A_2, %dma_wait3A_104] : memref<4000x80xi32, #tpu.memory_space<hbm>> -> memref<250x80xi32, #tpu.memory_space<hbm>>
      tpu.wait_dma2 semaphore(%run_scoped3A : memref<!tpu.dma_semaphore, #tpu.memory_space<semaphore_mem>>) src(%dma_wait3A_105 : memref<250x80xi32, #tpu.memory_space<hbm>>) dst(%arg8 : memref<250x80xi32, #tpu.memory_space<vmem>>)
      tpu.yield
    }) : () -> ()
    %scan3A = arith.constant 0 : i32
    %scan3A_3 = arith.constant 0 : i32
    %scan3A_4 = arith.constant 2 : i32
    %scan3A_5 = arith.addi %scan3A_3, %scan3A_4 : i32
    %scan3A_6 = arith.constant 1 : i32
    %scan3A_7 = scf.for %scan3A_98 = %scan3A_3 to %scan3A_5 step %scan3A_6 iter_args(%scan3A_99 = %scan3A) -> (i32)  : i32 {
      %get3A = arith.index_cast %scan3A_98 : i32 to index
      %get3A_100 = arith.constant 0 : index
      %get3A_101 = tpu.vector_load %arg7[%get3A, %get3A_100] {strides = array<i32>} : memref<252x80xi32, #tpu.memory_space<vmem>>, vector<1x16xi32>,
      %get3A_102 = vector.shape_cast %get3A_101 : vector<1x16xi32> to vector<16xi32>
      %add3A_103 = arith.addi %get3A_102, %get3A_102 : vector<16xi32>
      %add3A_104 = vector.broadcast %arg0 : i32 to vector<16xi32>
      %add3A_105 = arith.addi %add3A_103, %add3A_104 : vector<16xi32>
      %swap3A = arith.index_cast %scan3A_98 : i32 to index
      %swap3A_106 = arith.constant 0 : index
      %swap3A_107 = tpu.vector_load %arg7[%swap3A, %swap3A_106] {strides = array<i32>} : memref<252x80xi32, #tpu.memory_space<vmem>>, vector<1x16xi32>,
      %swap3A_108 = vector.shape_cast %swap3A_107 : vector<1x16xi32> to vector<16xi32>
      %swap3A_109 = vector.shape_cast %add3A_105 : vector<16xi32> to vector<1x16xi32>
      tpu.vector_store %arg7[%swap3A, %swap3A_106], %swap3A_109 {strides = array<i32>} : memref<252x80xi32, #tpu.memory_space<vmem>>, vector<1x16xi32>,
      %get3A_110 = arith.index_cast %scan3A_98 : i32 to index
      %get3A_111 = arith.constant 16 : index
      %get3A_112 = tpu.vector_load %arg7[%get3A_110, %get3A_111] {strides = array<i32>} : memref<252x80xi32, #tpu.memory_space<vmem>>, vector<1x16xi32>,
      %get3A_113 = vector.shape_cast %get3A_112 : vector<1x16xi32> to vector<16xi32>
      %add3A_114 = arith.addi %get3A_113, %get3A_113 : vector<16xi32>
      %add3A_115 = vector.broadcast %arg0 : i32 to vector<16xi32>
      %add3A_116 = arith.addi %add3A_114, %add3A_115 : vector<16xi32>
      %swap3A_117 = arith.index_cast %scan3A_98 : i32 to index
      %swap3A_118 = arith.constant 16 : index
      %swap3A_119 = tpu.vector_load %arg7[%swap3A_117, %swap3A_118] {strides = array<i32>} : memref<252x80xi32, #tpu.memory_space<vmem>>, vector<1x16xi32>,
      %swap3A_120 = vector.shape_cast %swap3A_119 : vector<1x16xi32> to vector<16xi32>
      %swap3A_121 = vector.shape_cast %add3A_116 : vector<16xi32> to vector<1x16xi32>
      tpu.vector_store %arg7[%swap3A_117, %swap3A_118], %swap3A_121 {strides = array<i32>} : memref<252x80xi32, #tpu.memory_space<vmem>>, vector<1x16xi32>,
      %get3A_122 = arith.index_cast %scan3A_98 : i32 to index
      %get3A_123 = arith.constant 32 : index
      %get3A_124 = tpu.vector_load %arg7[%get3A_122, %get3A_123] {strides = array<i32>} : memref<252x80xi32, #tpu.memory_space<vmem>>, vector<1x16xi32>,
      %get3A_125 = vector.shape_cast %get3A_124 : vector<1x16xi32> to vector<16xi32>
      %add3A_126 = arith.addi %get3A_125, %get3A_125 : vector<16xi32>
      %add3A_127 = vector.broadcast %arg0 : i32 to vector<16xi32>
      %add3A_128 = arith.addi %add3A_126, %add3A_127 : vector<16xi32>
      %swap3A_129 = arith.index_cast %scan3A_98 : i32 to index
      %swap3A_130 = arith.constant 32 : index
      %swap3A_131 = tpu.vector_load %arg7[%swap3A_129, %swap3A_130] {strides = array<i32>} : memref<252x80xi32, #tpu.memory_space<vmem>>, vector<1x16xi32>,
      %swap3A_132 = vector.shape_cast %swap3A_131 : vector<1x16xi32> to vector<16xi32>
      %swap3A_133 = vector.shape_cast %add3A_128 : vector<16xi32> to vector<1x16xi32>
      tpu.vector_store %arg7[%swap3A_129, %swap3A_130], %swap3A_133 {strides = array<i32>} : memref<252x80xi32, #tpu.memory_space<vmem>>, vector<1x16xi32>,
      %get3A_134 = arith.index_cast %scan3A_98 : i32 to index
      %get3A_135 = arith.constant 48 : index
      %get3A_136 = tpu.vector_load %arg7[%get3A_134, %get3A_135] {strides = array<i32>} : memref<252x80xi32, #tpu.memory_space<vmem>>, vector<1x16xi32>,
      %get3A_137 = vector.shape_cast %get3A_136 : vector<1x16xi32> to vector<16xi32>
      %add3A_138 = arith.addi %get3A_137, %get3A_137 : vector<16xi32>
      %add3A_139 = vector.broadcast %arg0 : i32 to vector<16xi32>
      %add3A_140 = arith.addi %add3A_138, %add3A_139 : vector<16xi32>
      %swap3A_141 = arith.index_cast %scan3A_98 : i32 to index
      %swap3A_142 = arith.constant 48 : index
      %swap3A_143 = tpu.vector_load %arg7[%swap3A_141, %swap3A_142] {strides = array<i32>} : memref<252x80xi32, #tpu.memory_space<vmem>>, vector<1x16xi32>,
      %swap3A_144 = vector.shape_cast %swap3A_143 : vector<1x16xi32> to vector<16xi32>
      %swap3A_145 = vector.shape_cast %add3A_140 : vector<16xi32> to vector<1x16xi32>
      tpu.vector_store %arg7[%swap3A_141, %swap3A_142], %swap3A_145 {strides = array<i32>} : memref<252x80xi32, #tpu.memory_space<vmem>>, vector<1x16xi32>,
      %get3A_146 = arith.index_cast %scan3A_98 : i32 to index
      %get3A_147 = arith.constant 64 : index
      %get3A_148 = tpu.vector_load %arg7[%get3A_146, %get3A_147] {strides = array<i32>} : memref<252x80xi32, #tpu.memory_space<vmem>>, vector<1x16xi32>,
      %get3A_149 = vector.shape_cast %get3A_148 : vector<1x16xi32> to vector<16xi32>
      %add3A_150 = arith.addi %get3A_149, %get3A_149 : vector<16xi32>
      %add3A_151 = vector.broadcast %arg0 : i32 to vector<16xi32>
      %add3A_152 = arith.addi %add3A_150, %add3A_151 : vector<16xi32>
      %swap3A_153 = arith.index_cast %scan3A_98 : i32 to index
      %swap3A_154 = arith.constant 64 : index
      %swap3A_155 = tpu.vector_load %arg7[%swap3A_153, %swap3A_154] {strides = array<i32>} : memref<252x80xi32, #tpu.memory_space<vmem>>, vector<1x16xi32>,
      %swap3A_156 = vector.shape_cast %swap3A_155 : vector<1x16xi32> to vector<16xi32>
      %swap3A_157 = vector.shape_cast %add3A_152 : vector<16xi32> to vector<1x16xi32>
      tpu.vector_store %arg7[%swap3A_153, %swap3A_154], %swap3A_157 {strides = array<i32>} : memref<252x80xi32, #tpu.memory_space<vmem>>, vector<1x16xi32>,
      %scan3A_158 = arith.constant 0 : i32
      scf.yield %scan3A_158 : i32
    }
    %scan3A_8 = arith.constant 2 : i32
    %scan3A_9 = arith.constant 0 : i32
    %scan3A_10 = arith.constant 0 : i32
    %scan3A_11 = arith.constant 10 : i32
    %scan3A_12 = arith.addi %scan3A_10, %scan3A_11 : i32
    %scan3A_13 = arith.constant 1 : i32
    %scan3A_14 = scf.for %scan3A_98 = %scan3A_10 to %scan3A_12 step %scan3A_13 iter_args(%scan3A_99 = %scan3A_9) -> (i32)  : i32 {
      %broadcast_in_dim3A = arith.constant 0 : i32
      %broadcast_in_dim3A_100 = vector.broadcast %broadcast_in_dim3A : i32 to vector<16xi32>
      %jit3A = arith.constant 5 : i32
      %div3A = arith.divsi %scan3A_98, %jit3A : i32
      %sign3A = arith.constant 0 : i32
      %sign3A_101 = arith.cmpi sgt, %scan3A_98, %sign3A : i32
      %sign3A_102 = arith.extui %sign3A_101 : i1 to i32
      %sign3A_103 = arith.constant 0 : i32
      %sign3A_104 = arith.cmpi slt, %scan3A_98, %sign3A_103 : i32
      %sign3A_105 = arith.extui %sign3A_104 : i1 to i32
      %sign3A_106 = arith.subi %sign3A_102, %sign3A_105 : i32
      %sign3A_107 = arith.constant 0 : i32
      %sign3A_108 = arith.cmpi sgt, %jit3A, %sign3A_107 : i32
      %sign3A_109 = arith.extui %sign3A_108 : i1 to i32
      %sign3A_110 = arith.constant 0 : i32
      %sign3A_111 = arith.cmpi slt, %jit3A, %sign3A_110 : i32
      %sign3A_112 = arith.extui %sign3A_111 : i1 to i32
      %sign3A_113 = arith.subi %sign3A_109, %sign3A_112 : i32
      %ne3A = arith.cmpi ne, %sign3A_106, %sign3A_113 : i32
      %rem3A = arith.remsi %scan3A_98, %jit3A : i32
      %ne3A_114 = arith.constant 0 : i32
      %ne3A_115 = arith.cmpi ne, %rem3A, %ne3A_114 : i32
      %and3A = arith.andi %ne3A, %ne3A_115 : i1
      %sub3A = arith.constant 1 : i32
      %sub3A_116 = arith.subi %div3A, %sub3A : i32
      %select_n3A = arith.select %and3A, %sub3A_116, %div3A : i32
      %add3A_117 = arith.constant 250 : i32
      %add3A_118 = arith.addi %add3A_117, %select_n3A : i32
      %jit3A_119 = arith.constant 5 : i32
      %eq3A_120 = arith.constant 0 : i32
      %eq3A_121 = arith.cmpi eq, %jit3A_119, %eq3A_120 : i32
      %jit3A_122 = arith.constant 1 : i32
      %select_n3A_123 = arith.select %eq3A_121, %jit3A_122, %jit3A_119 : i32
      %rem3A_124 = arith.remsi %scan3A_98, %select_n3A_123 : i32
      %ne3A_125 = arith.constant 0 : i32
      %ne3A_126 = arith.cmpi ne, %rem3A_124, %ne3A_125 : i32
      %lt3A_127 = arith.constant 0 : i32
      %lt3A_128 = arith.cmpi slt, %rem3A_124, %lt3A_127 : i32
      %lt3A_129 = arith.constant 0 : i32
      %lt3A_130 = arith.cmpi slt, %select_n3A_123, %lt3A_129 : i32
      %ne3A_131 = arith.xori %lt3A_128, %lt3A_130 : i1
      %and3A_132 = arith.andi %ne3A_131, %ne3A_126 : i1
      %add3A_133 = arith.addi %rem3A_124, %select_n3A_123 : i32
      %select_n3A_134 = arith.select %and3A_132, %add3A_133, %rem3A_124 : i32
      %mul3A_135 = arith.constant 16 : i32
      %mul3A_136 = arith.muli %select_n3A_134, %mul3A_135 : i32
      %swap3A = arith.index_cast %add3A_118 : i32 to index
      %swap3A_137 = arith.index_cast %mul3A_136 : i32 to index
      %swap3A_138 = tpu.vector_load %arg7[%swap3A, %swap3A_137] {strides = array<i32>} : memref<252x80xi32, #tpu.memory_space<vmem>>, vector<1x16xi32>,
      %swap3A_139 = vector.shape_cast %swap3A_138 : vector<1x16xi32> to vector<16xi32>
      %swap3A_140 = vector.shape_cast %broadcast_in_dim3A_100 : vector<16xi32> to vector<1x16xi32>
      tpu.vector_store %arg7[%swap3A, %swap3A_137], %swap3A_140 {strides = array<i32>} : memref<252x80xi32, #tpu.memory_space<vmem>>, vector<1x16xi32>,
      %scan3A_141 = arith.constant 0 : i32
      scf.yield %scan3A_141 : i32
    }
    %scan3A_15 = arith.constant 10 : i32
    %scan3A_16 = arith.constant 0 : i32
    %scan3A_17 = arith.constant 0 : i32
    %scan3A_18 = arith.constant 320 : i32
    %scan3A_19 = arith.addi %scan3A_17, %scan3A_18 : i32
    %scan3A_20 = arith.constant 1 : i32
    %scan3A_21 = scf.for %scan3A_98 = %scan3A_17 to %scan3A_19 step %scan3A_20 iter_args(%scan3A_99 = %scan3A_16) -> (i32)  : i32 {
      %broadcast_in_dim3A = arith.constant 0.000000e+00 : f32
      %broadcast_in_dim3A_100 = vector.broadcast %broadcast_in_dim3A : f32 to vector<16xf32>
      %jit3A = arith.constant 4 : i32
      %div3A = arith.divsi %scan3A_98, %jit3A : i32
      %sign3A = arith.constant 0 : i32
      %sign3A_101 = arith.cmpi sgt, %scan3A_98, %sign3A : i32
      %sign3A_102 = arith.extui %sign3A_101 : i1 to i32
      %sign3A_103 = arith.constant 0 : i32
      %sign3A_104 = arith.cmpi slt, %scan3A_98, %sign3A_103 : i32
      %sign3A_105 = arith.extui %sign3A_104 : i1 to i32
      %sign3A_106 = arith.subi %sign3A_102, %sign3A_105 : i32
      %sign3A_107 = arith.constant 0 : i32
      %sign3A_108 = arith.cmpi sgt, %jit3A, %sign3A_107 : i32
      %sign3A_109 = arith.extui %sign3A_108 : i1 to i32
      %sign3A_110 = arith.constant 0 : i32
      %sign3A_111 = arith.cmpi slt, %jit3A, %sign3A_110 : i32
      %sign3A_112 = arith.extui %sign3A_111 : i1 to i32
      %sign3A_113 = arith.subi %sign3A_109, %sign3A_112 : i32
      %ne3A = arith.cmpi ne, %sign3A_106, %sign3A_113 : i32
      %rem3A = arith.remsi %scan3A_98, %jit3A : i32
      %ne3A_114 = arith.constant 0 : i32
      %ne3A_115 = arith.cmpi ne, %rem3A, %ne3A_114 : i32
      %and3A = arith.andi %ne3A, %ne3A_115 : i1
      %sub3A = arith.constant 1 : i32
      %sub3A_116 = arith.subi %div3A, %sub3A : i32
      %select_n3A = arith.select %and3A, %sub3A_116, %div3A : i32
      %jit3A_117 = arith.constant 4 : i32
      %eq3A_118 = arith.constant 0 : i32
      %eq3A_119 = arith.cmpi eq, %jit3A_117, %eq3A_118 : i32
      %jit3A_120 = arith.constant 1 : i32
      %select_n3A_121 = arith.select %eq3A_119, %jit3A_120, %jit3A_117 : i32
      %rem3A_122 = arith.remsi %scan3A_98, %select_n3A_121 : i32
      %ne3A_123 = arith.constant 0 : i32
      %ne3A_124 = arith.cmpi ne, %rem3A_122, %ne3A_123 : i32
      %lt3A_125 = arith.constant 0 : i32
      %lt3A_126 = arith.cmpi slt, %rem3A_122, %lt3A_125 : i32
      %lt3A_127 = arith.constant 0 : i32
      %lt3A_128 = arith.cmpi slt, %select_n3A_121, %lt3A_127 : i32
      %ne3A_129 = arith.xori %lt3A_126, %lt3A_128 : i1
      %and3A_130 = arith.andi %ne3A_129, %ne3A_124 : i1
      %add3A_131 = arith.addi %rem3A_122, %select_n3A_121 : i32
      %select_n3A_132 = arith.select %and3A_130, %add3A_131, %rem3A_122 : i32
      %mul3A_133 = arith.constant 16 : i32
      %mul3A_134 = arith.muli %select_n3A_132, %mul3A_133 : i32
      %swap3A = arith.index_cast %select_n3A : i32 to index
      %swap3A_135 = arith.index_cast %mul3A_134 : i32 to index
      %swap3A_136 = tpu.vector_load %arg9[%swap3A, %swap3A_135] {strides = array<i32>} : memref<80x64xf32, #tpu.memory_space<vmem>>, vector<1x16xf32>,
      %swap3A_137 = vector.shape_cast %swap3A_136 : vector<1x16xf32> to vector<16xf32>
      %swap3A_138 = vector.shape_cast %broadcast_in_dim3A_100 : vector<16xf32> to vector<1x16xf32>
      tpu.vector_store %arg9[%swap3A, %swap3A_135], %swap3A_138 {strides = array<i32>} : memref<80x64xf32, #tpu.memory_space<vmem>>, vector<1x16xf32>,
      %scan3A_139 = arith.constant 0 : i32
      scf.yield %scan3A_139 : i32
    }
    %scan3A_22 = arith.constant 320 : i32
    %scan3A_23 = arith.constant 0 : i32
    %scan3A_24 = arith.constant 0 : i32
    %scan3A_25 = arith.constant 320 : i32
    %scan3A_26 = arith.addi %scan3A_24, %scan3A_25 : i32
    %scan3A_27 = arith.constant 1 : i32
    %scan3A_28 = scf.for %scan3A_98 = %scan3A_24 to %scan3A_26 step %scan3A_27 iter_args(%scan3A_99 = %scan3A_23) -> (i32)  : i32 {
      %broadcast_in_dim3A = arith.constant 0.000000e+00 : f32
      %broadcast_in_dim3A_100 = vector.broadcast %broadcast_in_dim3A : f32 to vector<16xf32>
      %swap3A = arith.index_cast %scan3A_98 : i32 to index
      %swap3A_101 = arith.constant 0 : index
      %swap3A_102 = tpu.vector_load %arg12[%swap3A, %swap3A_101] {strides = array<i32>} : memref<320x16xf32, #tpu.memory_space<vmem>>, vector<1x16xf32>,
      %swap3A_103 = vector.shape_cast %swap3A_102 : vector<1x16xf32> to vector<16xf32>
      %swap3A_104 = vector.shape_cast %broadcast_in_dim3A_100 : vector<16xf32> to vector<1x16xf32>
      tpu.vector_store %arg12[%swap3A, %swap3A_101], %swap3A_104 {strides = array<i32>} : memref<320x16xf32, #tpu.memory_space<vmem>>, vector<1x16xf32>,
      %scan3A_105 = arith.constant 0 : i32
      scf.yield %scan3A_105 : i32
    }
    %scan3A_29 = arith.constant 320 : i32
    %scan3A_30 = arith.constant 0 : i32
    %scan3A_31 = arith.constant 0 : i32
    %scan3A_32 = arith.constant 80 : i32
    %scan3A_33 = arith.addi %scan3A_31, %scan3A_32 : i32
    %scan3A_34 = arith.constant 1 : i32
    %scan3A_35 = scf.for %scan3A_98 = %scan3A_31 to %scan3A_33 step %scan3A_34 iter_args(%scan3A_99 = %scan3A_30) -> (i32)  : i32 {
      %broadcast_in_dim3A = arith.constant 1.000000e+00 : f32
      %broadcast_in_dim3A_100 = vector.broadcast %broadcast_in_dim3A : f32 to vector<16xf32>
      %swap3A = arith.index_cast %scan3A_98 : i32 to index
      %swap3A_101 = arith.constant 0 : index
      %swap3A_102 = tpu.vector_load %arg11[%swap3A, %swap3A_101] {strides = array<i32>} : memref<80x16xf32, #tpu.memory_space<vmem>>, vector<1x16xf32>,
      %swap3A_103 = vector.shape_cast %swap3A_102 : vector<1x16xf32> to vector<16xf32>
      %swap3A_104 = vector.shape_cast %broadcast_in_dim3A_100 : vector<16xf32> to vector<1x16xf32>
      tpu.vector_store %arg11[%swap3A, %swap3A_101], %swap3A_104 {strides = array<i32>} : memref<80x16xf32, #tpu.memory_space<vmem>>, vector<1x16xf32>,
      %scan3A_105 = arith.constant 0 : i32
      scf.yield %scan3A_105 : i32
    }
    %scan3A_36 = arith.constant 80 : i32
    %mul3A_37 = arith.constant 640 : i32
    %mul3A_38 = arith.muli %arg1, %mul3A_37 : i32
    %add3A = arith.constant 0 : i32
    %add3A_39 = arith.addi %mul3A_38, %add3A : i32
    "tpu.region"() ({
      %run_scoped3A = tpu.sem_alloc : memref<!tpu.dma_semaphore, #tpu.memory_space<semaphore_mem>>
      %dma_start3A_98 = arith.constant 0 : i32
      %dma_start3A_99 = tpu.memref_slice %arg13[%add3A_39, %dma_start3A_98] : memref<10240x64xf32, #tpu.memory_space<vmem_shared>> -> memref<80x64xf32, #tpu.memory_space<vmem_shared>>
      %dma_start3A_100 = arith.constant 0 : i32
      %dma_start3A_101 = tpu.memref_slice %arg13[%add3A_39, %dma_start3A_100] : memref<10240x64xf32, #tpu.memory_space<vmem_shared>> -> memref<80x64xf32, #tpu.memory_space<vmem_shared>>
      tpu.enqueue_dma source(%arg9 : memref<80x64xf32, #tpu.memory_space<vmem>>) target(%dma_start3A_101 : memref<80x64xf32, #tpu.memory_space<vmem_shared>>) target_semaphore(%run_scoped3A : memref<!tpu.dma_semaphore, #tpu.memory_space<semaphore_mem>>)
      %dma_wait3A_102 = arith.constant 0 : i32
      %dma_wait3A_103 = tpu.memref_slice %arg13[%add3A_39, %dma_wait3A_102] : memref<10240x64xf32, #tpu.memory_space<vmem_shared>> -> memref<80x64xf32, #tpu.memory_space<vmem_shared>>
      %dma_wait3A_104 = arith.constant 0 : i32
      %dma_wait3A_105 = tpu.memref_slice %arg13[%add3A_39, %dma_wait3A_104] : memref<10240x64xf32, #tpu.memory_space<vmem_shared>> -> memref<80x64xf32, #tpu.memory_space<vmem_shared>>
      tpu.wait_dma2 semaphore(%run_scoped3A : memref<!tpu.dma_semaphore, #tpu.memory_space<semaphore_mem>>) src(%arg9 : memref<80x64xf32, #tpu.memory_space<vmem>>) dst(%dma_wait3A_105 : memref<80x64xf32, #tpu.memory_space<vmem_shared>>)
      tpu.yield
    }) : () -> ()
    %add3A_40 = arith.constant 80 : i32
    %add3A_41 = arith.addi %mul3A_38, %add3A_40 : i32
    "tpu.region"() ({
      %run_scoped3A = tpu.sem_alloc : memref<!tpu.dma_semaphore, #tpu.memory_space<semaphore_mem>>
      %dma_start3A_98 = arith.constant 0 : i32
      %dma_start3A_99 = tpu.memref_slice %arg13[%add3A_41, %dma_start3A_98] : memref<10240x64xf32, #tpu.memory_space<vmem_shared>> -> memref<80x64xf32, #tpu.memory_space<vmem_shared>>
      %dma_start3A_100 = arith.constant 0 : i32
      %dma_start3A_101 = tpu.memref_slice %arg13[%add3A_41, %dma_start3A_100] : memref<10240x64xf32, #tpu.memory_space<vmem_shared>> -> memref<80x64xf32, #tpu.memory_space<vmem_shared>>
      tpu.enqueue_dma source(%arg9 : memref<80x64xf32, #tpu.memory_space<vmem>>) target(%dma_start3A_101 : memref<80x64xf32, #tpu.memory_space<vmem_shared>>) target_semaphore(%run_scoped3A : memref<!tpu.dma_semaphore, #tpu.memory_space<semaphore_mem>>)
      %dma_wait3A_102 = arith.constant 0 : i32
      %dma_wait3A_103 = tpu.memref_slice %arg13[%add3A_41, %dma_wait3A_102] : memref<10240x64xf32, #tpu.memory_space<vmem_shared>> -> memref<80x64xf32, #tpu.memory_space<vmem_shared>>
      %dma_wait3A_104 = arith.constant 0 : i32
      %dma_wait3A_105 = tpu.memref_slice %arg13[%add3A_41, %dma_wait3A_104] : memref<10240x64xf32, #tpu.memory_space<vmem_shared>> -> memref<80x64xf32, #tpu.memory_space<vmem_shared>>
      tpu.wait_dma2 semaphore(%run_scoped3A : memref<!tpu.dma_semaphore, #tpu.memory_space<semaphore_mem>>) src(%arg9 : memref<80x64xf32, #tpu.memory_space<vmem>>) dst(%dma_wait3A_105 : memref<80x64xf32, #tpu.memory_space<vmem_shared>>)
      tpu.yield
    }) : () -> ()
    %add3A_42 = arith.constant 160 : i32
    %add3A_43 = arith.addi %mul3A_38, %add3A_42 : i32
    "tpu.region"() ({
      %run_scoped3A = tpu.sem_alloc : memref<!tpu.dma_semaphore, #tpu.memory_space<semaphore_mem>>
      %dma_start3A_98 = arith.constant 0 : i32
      %dma_start3A_99 = tpu.memref_slice %arg13[%add3A_43, %dma_start3A_98] : memref<10240x64xf32, #tpu.memory_space<vmem_shared>> -> memref<80x64xf32, #tpu.memory_space<vmem_shared>>
      %dma_start3A_100 = arith.constant 0 : i32
      %dma_start3A_101 = tpu.memref_slice %arg13[%add3A_43, %dma_start3A_100] : memref<10240x64xf32, #tpu.memory_space<vmem_shared>> -> memref<80x64xf32, #tpu.memory_space<vmem_shared>>
      tpu.enqueue_dma source(%arg9 : memref<80x64xf32, #tpu.memory_space<vmem>>) target(%dma_start3A_101 : memref<80x64xf32, #tpu.memory_space<vmem_shared>>) target_semaphore(%run_scoped3A : memref<!tpu.dma_semaphore, #tpu.memory_space<semaphore_mem>>)
      %dma_wait3A_102 = arith.constant 0 : i32
      %dma_wait3A_103 = tpu.memref_slice %arg13[%add3A_43, %dma_wait3A_102] : memref<10240x64xf32, #tpu.memory_space<vmem_shared>> -> memref<80x64xf32, #tpu.memory_space<vmem_shared>>
      %dma_wait3A_104 = arith.constant 0 : i32
      %dma_wait3A_105 = tpu.memref_slice %arg13[%add3A_43, %dma_wait3A_104] : memref<10240x64xf32, #tpu.memory_space<vmem_shared>> -> memref<80x64xf32, #tpu.memory_space<vmem_shared>>
      tpu.wait_dma2 semaphore(%run_scoped3A : memref<!tpu.dma_semaphore, #tpu.memory_space<semaphore_mem>>) src(%arg9 : memref<80x64xf32, #tpu.memory_space<vmem>>) dst(%dma_wait3A_105 : memref<80x64xf32, #tpu.memory_space<vmem_shared>>)
      tpu.yield
    }) : () -> ()
    %add3A_44 = arith.constant 240 : i32
    %add3A_45 = arith.addi %mul3A_38, %add3A_44 : i32
    "tpu.region"() ({
      %run_scoped3A = tpu.sem_alloc : memref<!tpu.dma_semaphore, #tpu.memory_space<semaphore_mem>>
      %dma_start3A_98 = arith.constant 0 : i32
      %dma_start3A_99 = tpu.memref_slice %arg13[%add3A_45, %dma_start3A_98] : memref<10240x64xf32, #tpu.memory_space<vmem_shared>> -> memref<80x64xf32, #tpu.memory_space<vmem_shared>>
      %dma_start3A_100 = arith.constant 0 : i32
      %dma_start3A_101 = tpu.memref_slice %arg13[%add3A_45, %dma_start3A_100] : memref<10240x64xf32, #tpu.memory_space<vmem_shared>> -> memref<80x64xf32, #tpu.memory_space<vmem_shared>>
      tpu.enqueue_dma source(%arg9 : memref<80x64xf32, #tpu.memory_space<vmem>>) target(%dma_start3A_101 : memref<80x64xf32, #tpu.memory_space<vmem_shared>>) target_semaphore(%run_scoped3A : memref<!tpu.dma_semaphore, #tpu.memory_space<semaphore_mem>>)
      %dma_wait3A_102 = arith.constant 0 : i32
      %dma_wait3A_103 = tpu.memref_slice %arg13[%add3A_45, %dma_wait3A_102] : memref<10240x64xf32, #tpu.memory_space<vmem_shared>> -> memref<80x64xf32, #tpu.memory_space<vmem_shared>>
      %dma_wait3A_104 = arith.constant 0 : i32
      %dma_wait3A_105 = tpu.memref_slice %arg13[%add3A_45, %dma_wait3A_104] : memref<10240x64xf32, #tpu.memory_space<vmem_shared>> -> memref<80x64xf32, #tpu.memory_space<vmem_shared>>
      tpu.wait_dma2 semaphore(%run_scoped3A : memref<!tpu.dma_semaphore, #tpu.memory_space<semaphore_mem>>) src(%arg9 : memref<80x64xf32, #tpu.memory_space<vmem>>) dst(%dma_wait3A_105 : memref<80x64xf32, #tpu.memory_space<vmem_shared>>)
      tpu.yield
    }) : () -> ()
    %add3A_46 = arith.constant 320 : i32
    %add3A_47 = arith.addi %mul3A_38, %add3A_46 : i32
    "tpu.region"() ({
      %run_scoped3A = tpu.sem_alloc : memref<!tpu.dma_semaphore, #tpu.memory_space<semaphore_mem>>
      %dma_start3A_98 = arith.constant 0 : i32
      %dma_start3A_99 = tpu.memref_slice %arg13[%add3A_47, %dma_start3A_98] : memref<10240x64xf32, #tpu.memory_space<vmem_shared>> -> memref<80x64xf32, #tpu.memory_space<vmem_shared>>
      %dma_start3A_100 = arith.constant 0 : i32
      %dma_start3A_101 = tpu.memref_slice %arg13[%add3A_47, %dma_start3A_100] : memref<10240x64xf32, #tpu.memory_space<vmem_shared>> -> memref<80x64xf32, #tpu.memory_space<vmem_shared>>
      tpu.enqueue_dma source(%arg9 : memref<80x64xf32, #tpu.memory_space<vmem>>) target(%dma_start3A_101 : memref<80x64xf32, #tpu.memory_space<vmem_shared>>) target_semaphore(%run_scoped3A : memref<!tpu.dma_semaphore, #tpu.memory_space<semaphore_mem>>)
      %dma_wait3A_102 = arith.constant 0 : i32
      %dma_wait3A_103 = tpu.memref_slice %arg13[%add3A_47, %dma_wait3A_102] : memref<10240x64xf32, #tpu.memory_space<vmem_shared>> -> memref<80x64xf32, #tpu.memory_space<vmem_shared>>
      %dma_wait3A_104 = arith.constant 0 : i32
      %dma_wait3A_105 = tpu.memref_slice %arg13[%add3A_47, %dma_wait3A_104] : memref<10240x64xf32, #tpu.memory_space<vmem_shared>> -> memref<80x64xf32, #tpu.memory_space<vmem_shared>>
      tpu.wait_dma2 semaphore(%run_scoped3A : memref<!tpu.dma_semaphore, #tpu.memory_space<semaphore_mem>>) src(%arg9 : memref<80x64xf32, #tpu.memory_space<vmem>>) dst(%dma_wait3A_105 : memref<80x64xf32, #tpu.memory_space<vmem_shared>>)
      tpu.yield
    }) : () -> ()
    %add3A_48 = arith.constant 400 : i32
    %add3A_49 = arith.addi %mul3A_38, %add3A_48 : i32
    "tpu.region"() ({
      %run_scoped3A = tpu.sem_alloc : memref<!tpu.dma_semaphore, #tpu.memory_space<semaphore_mem>>
      %dma_start3A_98 = arith.constant 0 : i32
      %dma_start3A_99 = tpu.memref_slice %arg13[%add3A_49, %dma_start3A_98] : memref<10240x64xf32, #tpu.memory_space<vmem_shared>> -> memref<80x64xf32, #tpu.memory_space<vmem_shared>>
      %dma_start3A_100 = arith.constant 0 : i32
      %dma_start3A_101 = tpu.memref_slice %arg13[%add3A_49, %dma_start3A_100] : memref<10240x64xf32, #tpu.memory_space<vmem_shared>> -> memref<80x64xf32, #tpu.memory_space<vmem_shared>>
      tpu.enqueue_dma source(%arg9 : memref<80x64xf32, #tpu.memory_space<vmem>>) target(%dma_start3A_101 : memref<80x64xf32, #tpu.memory_space<vmem_shared>>) target_semaphore(%run_scoped3A : memref<!tpu.dma_semaphore, #tpu.memory_space<semaphore_mem>>)
      %dma_wait3A_102 = arith.constant 0 : i32
      %dma_wait3A_103 = tpu.memref_slice %arg13[%add3A_49, %dma_wait3A_102] : memref<10240x64xf32, #tpu.memory_space<vmem_shared>> -> memref<80x64xf32, #tpu.memory_space<vmem_shared>>
      %dma_wait3A_104 = arith.constant 0 : i32
      %dma_wait3A_105 = tpu.memref_slice %arg13[%add3A_49, %dma_wait3A_104] : memref<10240x64xf32, #tpu.memory_space<vmem_shared>> -> memref<80x64xf32, #tpu.memory_space<vmem_shared>>
      tpu.wait_dma2 semaphore(%run_scoped3A : memref<!tpu.dma_semaphore, #tpu.memory_space<semaphore_mem>>) src(%arg9 : memref<80x64xf32, #tpu.memory_space<vmem>>) dst(%dma_wait3A_105 : memref<80x64xf32, #tpu.memory_space<vmem_shared>>)
      tpu.yield
    }) : () -> ()
    %add3A_50 = arith.constant 480 : i32
    %add3A_51 = arith.addi %mul3A_38, %add3A_50 : i32
    "tpu.region"() ({
      %run_scoped3A = tpu.sem_alloc : memref<!tpu.dma_semaphore, #tpu.memory_space<semaphore_mem>>
      %dma_start3A_98 = arith.constant 0 : i32
      %dma_start3A_99 = tpu.memref_slice %arg13[%add3A_51, %dma_start3A_98] : memref<10240x64xf32, #tpu.memory_space<vmem_shared>> -> memref<80x64xf32, #tpu.memory_space<vmem_shared>>
      %dma_start3A_100 = arith.constant 0 : i32
      %dma_start3A_101 = tpu.memref_slice %arg13[%add3A_51, %dma_start3A_100] : memref<10240x64xf32, #tpu.memory_space<vmem_shared>> -> memref<80x64xf32, #tpu.memory_space<vmem_shared>>
      tpu.enqueue_dma source(%arg9 : memref<80x64xf32, #tpu.memory_space<vmem>>) target(%dma_start3A_101 : memref<80x64xf32, #tpu.memory_space<vmem_shared>>) target_semaphore(%run_scoped3A : memref<!tpu.dma_semaphore, #tpu.memory_space<semaphore_mem>>)
      %dma_wait3A_102 = arith.constant 0 : i32
      %dma_wait3A_103 = tpu.memref_slice %arg13[%add3A_51, %dma_wait3A_102] : memref<10240x64xf32, #tpu.memory_space<vmem_shared>> -> memref<80x64xf32, #tpu.memory_space<vmem_shared>>
      %dma_wait3A_104 = arith.constant 0 : i32
      %dma_wait3A_105 = tpu.memref_slice %arg13[%add3A_51, %dma_wait3A_104] : memref<10240x64xf32, #tpu.memory_space<vmem_shared>> -> memref<80x64xf32, #tpu.memory_space<vmem_shared>>
      tpu.wait_dma2 semaphore(%run_scoped3A : memref<!tpu.dma_semaphore, #tpu.memory_space<semaphore_mem>>) src(%arg9 : memref<80x64xf32, #tpu.memory_space<vmem>>) dst(%dma_wait3A_105 : memref<80x64xf32, #tpu.memory_space<vmem_shared>>)
      tpu.yield
    }) : () -> ()
    %add3A_52 = arith.constant 560 : i32
    %add3A_53 = arith.addi %mul3A_38, %add3A_52 : i32
    "tpu.region"() ({
      %run_scoped3A = tpu.sem_alloc : memref<!tpu.dma_semaphore, #tpu.memory_space<semaphore_mem>>
      %dma_start3A_98 = arith.constant 0 : i32
      %dma_start3A_99 = tpu.memref_slice %arg13[%add3A_53, %dma_start3A_98] : memref<10240x64xf32, #tpu.memory_space<vmem_shared>> -> memref<80x64xf32, #tpu.memory_space<vmem_shared>>
      %dma_start3A_100 = arith.constant 0 : i32
      %dma_start3A_101 = tpu.memref_slice %arg13[%add3A_53, %dma_start3A_100] : memref<10240x64xf32, #tpu.memory_space<vmem_shared>> -> memref<80x64xf32, #tpu.memory_space<vmem_shared>>
      tpu.enqueue_dma source(%arg9 : memref<80x64xf32, #tpu.memory_space<vmem>>) target(%dma_start3A_101 : memref<80x64xf32, #tpu.memory_space<vmem_shared>>) target_semaphore(%run_scoped3A : memref<!tpu.dma_semaphore, #tpu.memory_space<semaphore_mem>>)
      %dma_wait3A_102 = arith.constant 0 : i32
      %dma_wait3A_103 = tpu.memref_slice %arg13[%add3A_53, %dma_wait3A_102] : memref<10240x64xf32, #tpu.memory_space<vmem_shared>> -> memref<80x64xf32, #tpu.memory_space<vmem_shared>>
      %dma_wait3A_104 = arith.constant 0 : i32
      %dma_wait3A_105 = tpu.memref_slice %arg13[%add3A_53, %dma_wait3A_104] : memref<10240x64xf32, #tpu.memory_space<vmem_shared>> -> memref<80x64xf32, #tpu.memory_space<vmem_shared>>
      tpu.wait_dma2 semaphore(%run_scoped3A : memref<!tpu.dma_semaphore, #tpu.memory_space<semaphore_mem>>) src(%arg9 : memref<80x64xf32, #tpu.memory_space<vmem>>) dst(%dma_wait3A_105 : memref<80x64xf32, #tpu.memory_space<vmem_shared>>)
      tpu.yield
    }) : () -> ()
    "tpu.region"() ({
      %run_scoped3A = tpu.sem_alloc : memref<!tpu.dma_semaphore, #tpu.memory_space<semaphore_mem>>
      %dma_start3A_98 = arith.constant 0 : i32
      %dma_start3A_99 = tpu.memref_slice %arg14[%mul3A_38, %dma_start3A_98] : memref<10240x16xf32, #tpu.memory_space<vmem_shared>> -> memref<320x16xf32, #tpu.memory_space<vmem_shared>>
      %dma_start3A_100 = arith.constant 0 : i32
      %dma_start3A_101 = tpu.memref_slice %arg14[%mul3A_38, %dma_start3A_100] : memref<10240x16xf32, #tpu.memory_space<vmem_shared>> -> memref<320x16xf32, #tpu.memory_space<vmem_shared>>
      tpu.enqueue_dma source(%arg12 : memref<320x16xf32, #tpu.memory_space<vmem>>) target(%dma_start3A_101 : memref<320x16xf32, #tpu.memory_space<vmem_shared>>) target_semaphore(%run_scoped3A : memref<!tpu.dma_semaphore, #tpu.memory_space<semaphore_mem>>)
      %dma_wait3A_102 = arith.constant 0 : i32
      %dma_wait3A_103 = tpu.memref_slice %arg14[%mul3A_38, %dma_wait3A_102] : memref<10240x16xf32, #tpu.memory_space<vmem_shared>> -> memref<320x16xf32, #tpu.memory_space<vmem_shared>>
      %dma_wait3A_104 = arith.constant 0 : i32
      %dma_wait3A_105 = tpu.memref_slice %arg14[%mul3A_38, %dma_wait3A_104] : memref<10240x16xf32, #tpu.memory_space<vmem_shared>> -> memref<320x16xf32, #tpu.memory_space<vmem_shared>>
      tpu.wait_dma2 semaphore(%run_scoped3A : memref<!tpu.dma_semaphore, #tpu.memory_space<semaphore_mem>>) src(%arg12 : memref<320x16xf32, #tpu.memory_space<vmem>>) dst(%dma_wait3A_105 : memref<320x16xf32, #tpu.memory_space<vmem_shared>>)
      tpu.yield
    }) : () -> ()
    %add3A_54 = arith.constant 320 : i32
    %add3A_55 = arith.addi %mul3A_38, %add3A_54 : i32
    "tpu.region"() ({
      %run_scoped3A = tpu.sem_alloc : memref<!tpu.dma_semaphore, #tpu.memory_space<semaphore_mem>>
      %dma_start3A_98 = arith.constant 0 : i32
      %dma_start3A_99 = tpu.memref_slice %arg14[%add3A_55, %dma_start3A_98] : memref<10240x16xf32, #tpu.memory_space<vmem_shared>> -> memref<320x16xf32, #tpu.memory_space<vmem_shared>>
      %dma_start3A_100 = arith.constant 0 : i32
      %dma_start3A_101 = tpu.memref_slice %arg14[%add3A_55, %dma_start3A_100] : memref<10240x16xf32, #tpu.memory_space<vmem_shared>> -> memref<320x16xf32, #tpu.memory_space<vmem_shared>>
      tpu.enqueue_dma source(%arg12 : memref<320x16xf32, #tpu.memory_space<vmem>>) target(%dma_start3A_101 : memref<320x16xf32, #tpu.memory_space<vmem_shared>>) target_semaphore(%run_scoped3A : memref<!tpu.dma_semaphore, #tpu.memory_space<semaphore_mem>>)
      %dma_wait3A_102 = arith.constant 0 : i32
      %dma_wait3A_103 = tpu.memref_slice %arg14[%add3A_55, %dma_wait3A_102] : memref<10240x16xf32, #tpu.memory_space<vmem_shared>> -> memref<320x16xf32, #tpu.memory_space<vmem_shared>>
      %dma_wait3A_104 = arith.constant 0 : i32
      %dma_wait3A_105 = tpu.memref_slice %arg14[%add3A_55, %dma_wait3A_104] : memref<10240x16xf32, #tpu.memory_space<vmem_shared>> -> memref<320x16xf32, #tpu.memory_space<vmem_shared>>
      tpu.wait_dma2 semaphore(%run_scoped3A : memref<!tpu.dma_semaphore, #tpu.memory_space<semaphore_mem>>) src(%arg12 : memref<320x16xf32, #tpu.memory_space<vmem>>) dst(%dma_wait3A_105 : memref<320x16xf32, #tpu.memory_space<vmem_shared>>)
      tpu.yield
    }) : () -> ()
    %dma_start3A = arith.constant 0 : i32
    %dma_start3A_56 = arith.constant 0 : i32
    %dma_start3A_57 = tpu.memref_slice %arg7[%dma_start3A, %dma_start3A_56] : memref<252x80xi32, #tpu.memory_space<vmem>> -> memref<1x80xi32, #tpu.memory_space<vmem>>
    %dma_start3A_58 = tpu.memref_squeeze %dma_start3A_57 : memref<1x80xi32, #tpu.memory_space<vmem>> -> memref<80xi32, #tpu.memory_space<vmem>>
    %dma_start3A_59 = arith.constant 0 : i32
    %dma_start3A_60 = arith.constant 0 : i32
    %dma_start3A_61 = tpu.memref_slice %arg2[%dma_start3A_59, %dma_start3A_60] : memref<20000x64xf32, #tpu.memory_space<hbm>> -> memref<20000x64xf32, #tpu.memory_space<hbm>>
    tpu.enqueue_indirect_dma source(%dma_start3A_61 : memref<20000x64xf32, #tpu.memory_space<hbm>>) target(%arg9 : memref<80x64xf32, #tpu.memory_space<vmem>>) offsets(%dma_start3A_58 : memref<80xi32, #tpu.memory_space<vmem>>) semaphore(%arg15 : memref<!tpu.dma_semaphore, #tpu.memory_space<semaphore_mem>>)
    %dma_start3A_62 = arith.constant 1 : i32
    %dma_start3A_63 = arith.constant 0 : i32
    %dma_start3A_64 = tpu.memref_slice %arg7[%dma_start3A_62, %dma_start3A_63] : memref<252x80xi32, #tpu.memory_space<vmem>> -> memref<1x80xi32, #tpu.memory_space<vmem>>
    %dma_start3A_65 = tpu.memref_squeeze %dma_start3A_64 : memref<1x80xi32, #tpu.memory_space<vmem>> -> memref<80xi32, #tpu.memory_space<vmem>>
    %dma_start3A_66 = arith.constant 0 : i32
    %dma_start3A_67 = arith.constant 0 : i32
    %dma_start3A_68 = tpu.memref_slice %arg2[%dma_start3A_66, %dma_start3A_67] : memref<20000x64xf32, #tpu.memory_space<hbm>> -> memref<20000x64xf32, #tpu.memory_space<hbm>>
    tpu.enqueue_indirect_dma source(%dma_start3A_68 : memref<20000x64xf32, #tpu.memory_space<hbm>>) target(%arg10 : memref<80x64xf32, #tpu.memory_space<vmem>>) offsets(%dma_start3A_65 : memref<80xi32, #tpu.memory_space<vmem>>) semaphore(%arg16 : memref<!tpu.dma_semaphore, #tpu.memory_space<semaphore_mem>>)
    %barrier3A = arith.constant 0 : index
    tpu.barrier barrier_id(%barrier3A)
    %scan3A_69 = arith.constant 0 : i32
    %scan3A_70 = arith.constant 0 : i32
    %scan3A_71 = arith.constant 125 : i32
    %scan3A_72 = arith.addi %scan3A_70, %scan3A_71 : i32
    %scan3A_73 = arith.constant 1 : i32
    %scan3A_74 = scf.for %scan3A_98 = %scan3A_70 to %scan3A_72 step %scan3A_73 iter_args(%scan3A_99 = %scan3A_69) -> (i32)  : i32 {
      %mul3A_100 = arith.constant 2 : i32
      %mul3A_101 = arith.muli %mul3A_100, %scan3A_98 : i32
      %add3A_102 = arith.constant 1 : i32
      %add3A_103 = arith.addi %mul3A_101, %add3A_102 : i32
      %dma_wait3A_104 = arith.constant 0 : i32
      %dma_wait3A_105 = tpu.memref_slice %arg7[%mul3A_101, %dma_wait3A_104] : memref<252x80xi32, #tpu.memory_space<vmem>> -> memref<1x80xi32, #tpu.memory_space<vmem>>
      %dma_wait3A_106 = tpu.memref_squeeze %dma_wait3A_105 : memref<1x80xi32, #tpu.memory_space<vmem>> -> memref<80xi32, #tpu.memory_space<vmem>>
      %dma_wait3A_107 = arith.constant 0 : i32
      %dma_wait3A_108 = arith.constant 0 : i32
      %dma_wait3A_109 = tpu.memref_slice %arg2[%dma_wait3A_107, %dma_wait3A_108] : memref<20000x64xf32, #tpu.memory_space<hbm>> -> memref<20000x64xf32, #tpu.memory_space<hbm>>
      tpu.wait_indirect_dma semaphore(%arg15 : memref<!tpu.dma_semaphore, #tpu.memory_space<semaphore_mem>>) src(%dma_wait3A_109 : memref<20000x64xf32, #tpu.memory_space<hbm>>) dst(%arg9 : memref<80x64xf32, #tpu.memory_space<vmem>>)
      %dma_start3A_110 = arith.constant 0 : i32
      %dma_start3A_111 = tpu.memref_slice %arg8[%mul3A_101, %dma_start3A_110] : memref<250x80xi32, #tpu.memory_space<vmem>> -> memref<1x80xi32, #tpu.memory_space<vmem>>
      %dma_start3A_112 = tpu.memref_squeeze %dma_start3A_111 : memref<1x80xi32, #tpu.memory_space<vmem>> -> memref<80xi32, #tpu.memory_space<vmem>>
      %dma_start3A_113 = arith.constant 0 : i32
      %dma_start3A_114 = arith.constant 0 : i32
      %dma_start3A_115 = tpu.memref_slice %arg13[%dma_start3A_113, %dma_start3A_114] : memref<10240x64xf32, #tpu.memory_space<vmem_shared>> -> memref<10240x64xf32, #tpu.memory_space<vmem_shared>>
      tpu.enqueue_indirect_dma source(%arg9 : memref<80x64xf32, #tpu.memory_space<vmem>>) target(%dma_start3A_115 : memref<10240x64xf32, #tpu.memory_space<vmem_shared>>) offsets(%dma_start3A_112 : memref<80xi32, #tpu.memory_space<vmem>>) semaphore(%arg17 : memref<!tpu.dma_semaphore, #tpu.memory_space<semaphore_mem>>) {add = true}
      %eq3A_116 = arith.constant 0 : i32
      %eq3A_117 = arith.cmpi eq, %arg0, %eq3A_116 : i32
      %convert_element_type3A_118 = arith.extui %eq3A_117 : i1 to i32
      %cond3A_119 = arith.constant 0 : i32
      %cond3A_120 = arith.cmpi ne, %convert_element_type3A_118, %cond3A_119 : i32
      scf.if %cond3A_120 {
        %dma_start3A_294 = arith.constant 0 : i32
        %dma_start3A_295 = tpu.memref_slice %arg8[%mul3A_101, %dma_start3A_294] : memref<250x80xi32, #tpu.memory_space<vmem>> -> memref<1x80xi32, #tpu.memory_space<vmem>>
        %dma_start3A_296 = tpu.memref_squeeze %dma_start3A_295 : memref<1x80xi32, #tpu.memory_space<vmem>> -> memref<80xi32, #tpu.memory_space<vmem>>
        %dma_start3A_297 = arith.constant 0 : i32
        %dma_start3A_298 = arith.constant 0 : i32
        %dma_start3A_299 = tpu.memref_slice %arg14[%dma_start3A_297, %dma_start3A_298] : memref<10240x16xf32, #tpu.memory_space<vmem_shared>> -> memref<10240x16xf32, #tpu.memory_space<vmem_shared>>
        tpu.enqueue_indirect_dma source(%arg11 : memref<80x16xf32, #tpu.memory_space<vmem>>) target(%dma_start3A_299 : memref<10240x16xf32, #tpu.memory_space<vmem_shared>>) offsets(%dma_start3A_296 : memref<80xi32, #tpu.memory_space<vmem>>) semaphore(%arg19 : memref<!tpu.dma_semaphore, #tpu.memory_space<semaphore_mem>>) {add = true}
      } else {
      }
      %dma_wait3A_121 = arith.constant 0 : i32
      %dma_wait3A_122 = tpu.memref_slice %arg7[%add3A_103, %dma_wait3A_121] : memref<252x80xi32, #tpu.memory_space<vmem>> -> memref<1x80xi32, #tpu.memory_space<vmem>>
      %dma_wait3A_123 = tpu.memref_squeeze %dma_wait3A_122 : memref<1x80xi32, #tpu.memory_space<vmem>> -> memref<80xi32, #tpu.memory_space<vmem>>
      %dma_wait3A_124 = arith.constant 0 : i32
      %dma_wait3A_125 = arith.constant 0 : i32
      %dma_wait3A_126 = tpu.memref_slice %arg2[%dma_wait3A_124, %dma_wait3A_125] : memref<20000x64xf32, #tpu.memory_space<hbm>> -> memref<20000x64xf32, #tpu.memory_space<hbm>>
      tpu.wait_indirect_dma semaphore(%arg16 : memref<!tpu.dma_semaphore, #tpu.memory_space<semaphore_mem>>) src(%dma_wait3A_126 : memref<20000x64xf32, #tpu.memory_space<hbm>>) dst(%arg10 : memref<80x64xf32, #tpu.memory_space<vmem>>)
      %dma_start3A_127 = arith.constant 0 : i32
      %dma_start3A_128 = tpu.memref_slice %arg8[%add3A_103, %dma_start3A_127] : memref<250x80xi32, #tpu.memory_space<vmem>> -> memref<1x80xi32, #tpu.memory_space<vmem>>
      %dma_start3A_129 = tpu.memref_squeeze %dma_start3A_128 : memref<1x80xi32, #tpu.memory_space<vmem>> -> memref<80xi32, #tpu.memory_space<vmem>>
      %dma_start3A_130 = arith.constant 0 : i32
      %dma_start3A_131 = arith.constant 0 : i32
      %dma_start3A_132 = tpu.memref_slice %arg13[%dma_start3A_130, %dma_start3A_131] : memref<10240x64xf32, #tpu.memory_space<vmem_shared>> -> memref<10240x64xf32, #tpu.memory_space<vmem_shared>>
      tpu.enqueue_indirect_dma source(%arg10 : memref<80x64xf32, #tpu.memory_space<vmem>>) target(%dma_start3A_132 : memref<10240x64xf32, #tpu.memory_space<vmem_shared>>) offsets(%dma_start3A_129 : memref<80xi32, #tpu.memory_space<vmem>>) semaphore(%arg18 : memref<!tpu.dma_semaphore, #tpu.memory_space<semaphore_mem>>) {add = true}
      %eq3A_133 = arith.constant 0 : i32
      %eq3A_134 = arith.cmpi eq, %arg0, %eq3A_133 : i32
      %convert_element_type3A_135 = arith.extui %eq3A_134 : i1 to i32
      %cond3A_136 = arith.constant 0 : i32
      %cond3A_137 = arith.cmpi ne, %convert_element_type3A_135, %cond3A_136 : i32
      scf.if %cond3A_137 {
        %dma_start3A_294 = arith.constant 0 : i32
        %dma_start3A_295 = tpu.memref_slice %arg8[%add3A_103, %dma_start3A_294] : memref<250x80xi32, #tpu.memory_space<vmem>> -> memref<1x80xi32, #tpu.memory_space<vmem>>
        %dma_start3A_296 = tpu.memref_squeeze %dma_start3A_295 : memref<1x80xi32, #tpu.memory_space<vmem>> -> memref<80xi32, #tpu.memory_space<vmem>>
        %dma_start3A_297 = arith.constant 0 : i32
        %dma_start3A_298 = arith.constant 0 : i32
        %dma_start3A_299 = tpu.memref_slice %arg14[%dma_start3A_297, %dma_start3A_298] : memref<10240x16xf32, #tpu.memory_space<vmem_shared>> -> memref<10240x16xf32, #tpu.memory_space<vmem_shared>>
        tpu.enqueue_indirect_dma source(%arg11 : memref<80x16xf32, #tpu.memory_space<vmem>>) target(%dma_start3A_299 : memref<10240x16xf32, #tpu.memory_space<vmem_shared>>) offsets(%dma_start3A_296 : memref<80xi32, #tpu.memory_space<vmem>>) semaphore(%arg19 : memref<!tpu.dma_semaphore, #tpu.memory_space<semaphore_mem>>) {add = true}
      } else {
      }
      %add3A_138 = arith.constant 2 : i32
      %add3A_139 = arith.addi %mul3A_101, %add3A_138 : i32
      %get3A = arith.index_cast %add3A_139 : i32 to index
      %get3A_140 = arith.constant 0 : index
      %get3A_141 = tpu.vector_load %arg7[%get3A, %get3A_140] {strides = array<i32>} : memref<252x80xi32, #tpu.memory_space<vmem>>, vector<1x16xi32>,
      %get3A_142 = vector.shape_cast %get3A_141 : vector<1x16xi32> to vector<16xi32>
      %add3A_143 = arith.addi %get3A_142, %get3A_142 : vector<16xi32>
      %add3A_144 = vector.broadcast %arg0 : i32 to vector<16xi32>
      %add3A_145 = arith.addi %add3A_143, %add3A_144 : vector<16xi32>
      %swap3A = arith.index_cast %add3A_139 : i32 to index
      %swap3A_146 = arith.constant 0 : index
      %swap3A_147 = tpu.vector_load %arg7[%swap3A, %swap3A_146] {strides = array<i32>} : memref<252x80xi32, #tpu.memory_space<vmem>>, vector<1x16xi32>,
      %swap3A_148 = vector.shape_cast %swap3A_147 : vector<1x16xi32> to vector<16xi32>
      %swap3A_149 = vector.shape_cast %add3A_145 : vector<16xi32> to vector<1x16xi32>
      tpu.vector_store %arg7[%swap3A, %swap3A_146], %swap3A_149 {strides = array<i32>} : memref<252x80xi32, #tpu.memory_space<vmem>>, vector<1x16xi32>,
      %get3A_150 = arith.index_cast %add3A_139 : i32 to index
      %get3A_151 = arith.constant 16 : index
      %get3A_152 = tpu.vector_load %arg7[%get3A_150, %get3A_151] {strides = array<i32>} : memref<252x80xi32, #tpu.memory_space<vmem>>, vector<1x16xi32>,
      %get3A_153 = vector.shape_cast %get3A_152 : vector<1x16xi32> to vector<16xi32>
      %add3A_154 = arith.addi %get3A_153, %get3A_153 : vector<16xi32>
      %add3A_155 = vector.broadcast %arg0 : i32 to vector<16xi32>
      %add3A_156 = arith.addi %add3A_154, %add3A_155 : vector<16xi32>
      %swap3A_157 = arith.index_cast %add3A_139 : i32 to index
      %swap3A_158 = arith.constant 16 : index
      %swap3A_159 = tpu.vector_load %arg7[%swap3A_157, %swap3A_158] {strides = array<i32>} : memref<252x80xi32, #tpu.memory_space<vmem>>, vector<1x16xi32>,
      %swap3A_160 = vector.shape_cast %swap3A_159 : vector<1x16xi32> to vector<16xi32>
      %swap3A_161 = vector.shape_cast %add3A_156 : vector<16xi32> to vector<1x16xi32>
      tpu.vector_store %arg7[%swap3A_157, %swap3A_158], %swap3A_161 {strides = array<i32>} : memref<252x80xi32, #tpu.memory_space<vmem>>, vector<1x16xi32>,
      %get3A_162 = arith.index_cast %add3A_139 : i32 to index
      %get3A_163 = arith.constant 32 : index
      %get3A_164 = tpu.vector_load %arg7[%get3A_162, %get3A_163] {strides = array<i32>} : memref<252x80xi32, #tpu.memory_space<vmem>>, vector<1x16xi32>,
      %get3A_165 = vector.shape_cast %get3A_164 : vector<1x16xi32> to vector<16xi32>
      %add3A_166 = arith.addi %get3A_165, %get3A_165 : vector<16xi32>
      %add3A_167 = vector.broadcast %arg0 : i32 to vector<16xi32>
      %add3A_168 = arith.addi %add3A_166, %add3A_167 : vector<16xi32>
      %swap3A_169 = arith.index_cast %add3A_139 : i32 to index
      %swap3A_170 = arith.constant 32 : index
      %swap3A_171 = tpu.vector_load %arg7[%swap3A_169, %swap3A_170] {strides = array<i32>} : memref<252x80xi32, #tpu.memory_space<vmem>>, vector<1x16xi32>,
      %swap3A_172 = vector.shape_cast %swap3A_171 : vector<1x16xi32> to vector<16xi32>
      %swap3A_173 = vector.shape_cast %add3A_168 : vector<16xi32> to vector<1x16xi32>
      tpu.vector_store %arg7[%swap3A_169, %swap3A_170], %swap3A_173 {strides = array<i32>} : memref<252x80xi32, #tpu.memory_space<vmem>>, vector<1x16xi32>,
      %get3A_174 = arith.index_cast %add3A_139 : i32 to index
      %get3A_175 = arith.constant 48 : index
      %get3A_176 = tpu.vector_load %arg7[%get3A_174, %get3A_175] {strides = array<i32>} : memref<252x80xi32, #tpu.memory_space<vmem>>, vector<1x16xi32>,
      %get3A_177 = vector.shape_cast %get3A_176 : vector<1x16xi32> to vector<16xi32>
      %add3A_178 = arith.addi %get3A_177, %get3A_177 : vector<16xi32>
      %add3A_179 = vector.broadcast %arg0 : i32 to vector<16xi32>
      %add3A_180 = arith.addi %add3A_178, %add3A_179 : vector<16xi32>
      %swap3A_181 = arith.index_cast %add3A_139 : i32 to index
      %swap3A_182 = arith.constant 48 : index
      %swap3A_183 = tpu.vector_load %arg7[%swap3A_181, %swap3A_182] {strides = array<i32>} : memref<252x80xi32, #tpu.memory_space<vmem>>, vector<1x16xi32>,
      %swap3A_184 = vector.shape_cast %swap3A_183 : vector<1x16xi32> to vector<16xi32>
      %swap3A_185 = vector.shape_cast %add3A_180 : vector<16xi32> to vector<1x16xi32>
      tpu.vector_store %arg7[%swap3A_181, %swap3A_182], %swap3A_185 {strides = array<i32>} : memref<252x80xi32, #tpu.memory_space<vmem>>, vector<1x16xi32>,
      %get3A_186 = arith.index_cast %add3A_139 : i32 to index
      %get3A_187 = arith.constant 64 : index
      %get3A_188 = tpu.vector_load %arg7[%get3A_186, %get3A_187] {strides = array<i32>} : memref<252x80xi32, #tpu.memory_space<vmem>>, vector<1x16xi32>,
      %get3A_189 = vector.shape_cast %get3A_188 : vector<1x16xi32> to vector<16xi32>
      %add3A_190 = arith.addi %get3A_189, %get3A_189 : vector<16xi32>
      %add3A_191 = vector.broadcast %arg0 : i32 to vector<16xi32>
      %add3A_192 = arith.addi %add3A_190, %add3A_191 : vector<16xi32>
      %swap3A_193 = arith.index_cast %add3A_139 : i32 to index
      %swap3A_194 = arith.constant 64 : index
      %swap3A_195 = tpu.vector_load %arg7[%swap3A_193, %swap3A_194] {strides = array<i32>} : memref<252x80xi32, #tpu.memory_space<vmem>>, vector<1x16xi32>,
      %swap3A_196 = vector.shape_cast %swap3A_195 : vector<1x16xi32> to vector<16xi32>
      %swap3A_197 = vector.shape_cast %add3A_192 : vector<16xi32> to vector<1x16xi32>
      tpu.vector_store %arg7[%swap3A_193, %swap3A_194], %swap3A_197 {strides = array<i32>} : memref<252x80xi32, #tpu.memory_space<vmem>>, vector<1x16xi32>,
      %dma_wait3A_198 = arith.constant 0 : i32
      %dma_wait3A_199 = tpu.memref_slice %arg8[%mul3A_101, %dma_wait3A_198] : memref<250x80xi32, #tpu.memory_space<vmem>> -> memref<1x80xi32, #tpu.memory_space<vmem>>
      %dma_wait3A_200 = tpu.memref_squeeze %dma_wait3A_199 : memref<1x80xi32, #tpu.memory_space<vmem>> -> memref<80xi32, #tpu.memory_space<vmem>>
      %dma_wait3A_201 = arith.constant 0 : i32
      %dma_wait3A_202 = arith.constant 0 : i32
      %dma_wait3A_203 = tpu.memref_slice %arg13[%dma_wait3A_201, %dma_wait3A_202] : memref<10240x64xf32, #tpu.memory_space<vmem_shared>> -> memref<10240x64xf32, #tpu.memory_space<vmem_shared>>
      tpu.wait_indirect_dma semaphore(%arg17 : memref<!tpu.dma_semaphore, #tpu.memory_space<semaphore_mem>>) src(%arg9 : memref<80x64xf32, #tpu.memory_space<vmem>>) dst(%dma_wait3A_203 : memref<10240x64xf32, #tpu.memory_space<vmem_shared>>)
      %add3A_204 = arith.constant 2 : i32
      %add3A_205 = arith.addi %mul3A_101, %add3A_204 : i32
      %dma_start3A_206 = arith.constant 0 : i32
      %dma_start3A_207 = tpu.memref_slice %arg7[%add3A_205, %dma_start3A_206] : memref<252x80xi32, #tpu.memory_space<vmem>> -> memref<1x80xi32, #tpu.memory_space<vmem>>
      %dma_start3A_208 = tpu.memref_squeeze %dma_start3A_207 : memref<1x80xi32, #tpu.memory_space<vmem>> -> memref<80xi32, #tpu.memory_space<vmem>>
      %dma_start3A_209 = arith.constant 0 : i32
      %dma_start3A_210 = arith.constant 0 : i32
      %dma_start3A_211 = tpu.memref_slice %arg2[%dma_start3A_209, %dma_start3A_210] : memref<20000x64xf32, #tpu.memory_space<hbm>> -> memref<20000x64xf32, #tpu.memory_space<hbm>>
      tpu.enqueue_indirect_dma source(%dma_start3A_211 : memref<20000x64xf32, #tpu.memory_space<hbm>>) target(%arg9 : memref<80x64xf32, #tpu.memory_space<vmem>>) offsets(%dma_start3A_208 : memref<80xi32, #tpu.memory_space<vmem>>) semaphore(%arg15 : memref<!tpu.dma_semaphore, #tpu.memory_space<semaphore_mem>>)
      %add3A_212 = arith.constant 2 : i32
      %add3A_213 = arith.addi %add3A_103, %add3A_212 : i32
      %get3A_214 = arith.index_cast %add3A_213 : i32 to index
      %get3A_215 = arith.constant 0 : index
      %get3A_216 = tpu.vector_load %arg7[%get3A_214, %get3A_215] {strides = array<i32>} : memref<252x80xi32, #tpu.memory_space<vmem>>, vector<1x16xi32>,
      %get3A_217 = vector.shape_cast %get3A_216 : vector<1x16xi32> to vector<16xi32>
      %add3A_218 = arith.addi %get3A_217, %get3A_217 : vector<16xi32>
      %add3A_219 = vector.broadcast %arg0 : i32 to vector<16xi32>
      %add3A_220 = arith.addi %add3A_218, %add3A_219 : vector<16xi32>
      %swap3A_221 = arith.index_cast %add3A_213 : i32 to index
      %swap3A_222 = arith.constant 0 : index
      %swap3A_223 = tpu.vector_load %arg7[%swap3A_221, %swap3A_222] {strides = array<i32>} : memref<252x80xi32, #tpu.memory_space<vmem>>, vector<1x16xi32>,
      %swap3A_224 = vector.shape_cast %swap3A_223 : vector<1x16xi32> to vector<16xi32>
      %swap3A_225 = vector.shape_cast %add3A_220 : vector<16xi32> to vector<1x16xi32>
      tpu.vector_store %arg7[%swap3A_221, %swap3A_222], %swap3A_225 {strides = array<i32>} : memref<252x80xi32, #tpu.memory_space<vmem>>, vector<1x16xi32>,
      %get3A_226 = arith.index_cast %add3A_213 : i32 to index
      %get3A_227 = arith.constant 16 : index
      %get3A_228 = tpu.vector_load %arg7[%get3A_226, %get3A_227] {strides = array<i32>} : memref<252x80xi32, #tpu.memory_space<vmem>>, vector<1x16xi32>,
      %get3A_229 = vector.shape_cast %get3A_228 : vector<1x16xi32> to vector<16xi32>
      %add3A_230 = arith.addi %get3A_229, %get3A_229 : vector<16xi32>
      %add3A_231 = vector.broadcast %arg0 : i32 to vector<16xi32>
      %add3A_232 = arith.addi %add3A_230, %add3A_231 : vector<16xi32>
      %swap3A_233 = arith.index_cast %add3A_213 : i32 to index
      %swap3A_234 = arith.constant 16 : index
      %swap3A_235 = tpu.vector_load %arg7[%swap3A_233, %swap3A_234] {strides = array<i32>} : memref<252x80xi32, #tpu.memory_space<vmem>>, vector<1x16xi32>,
      %swap3A_236 = vector.shape_cast %swap3A_235 : vector<1x16xi32> to vector<16xi32>
      %swap3A_237 = vector.shape_cast %add3A_232 : vector<16xi32> to vector<1x16xi32>
      tpu.vector_store %arg7[%swap3A_233, %swap3A_234], %swap3A_237 {strides = array<i32>} : memref<252x80xi32, #tpu.memory_space<vmem>>, vector<1x16xi32>,
      %get3A_238 = arith.index_cast %add3A_213 : i32 to index
      %get3A_239 = arith.constant 32 : index
      %get3A_240 = tpu.vector_load %arg7[%get3A_238, %get3A_239] {strides = array<i32>} : memref<252x80xi32, #tpu.memory_space<vmem>>, vector<1x16xi32>,
      %get3A_241 = vector.shape_cast %get3A_240 : vector<1x16xi32> to vector<16xi32>
      %add3A_242 = arith.addi %get3A_241, %get3A_241 : vector<16xi32>
      %add3A_243 = vector.broadcast %arg0 : i32 to vector<16xi32>
      %add3A_244 = arith.addi %add3A_242, %add3A_243 : vector<16xi32>
      %swap3A_245 = arith.index_cast %add3A_213 : i32 to index
      %swap3A_246 = arith.constant 32 : index
      %swap3A_247 = tpu.vector_load %arg7[%swap3A_245, %swap3A_246] {strides = array<i32>} : memref<252x80xi32, #tpu.memory_space<vmem>>, vector<1x16xi32>,
      %swap3A_248 = vector.shape_cast %swap3A_247 : vector<1x16xi32> to vector<16xi32>
      %swap3A_249 = vector.shape_cast %add3A_244 : vector<16xi32> to vector<1x16xi32>
      tpu.vector_store %arg7[%swap3A_245, %swap3A_246], %swap3A_249 {strides = array<i32>} : memref<252x80xi32, #tpu.memory_space<vmem>>, vector<1x16xi32>,
      %get3A_250 = arith.index_cast %add3A_213 : i32 to index
      %get3A_251 = arith.constant 48 : index
      %get3A_252 = tpu.vector_load %arg7[%get3A_250, %get3A_251] {strides = array<i32>} : memref<252x80xi32, #tpu.memory_space<vmem>>, vector<1x16xi32>,
      %get3A_253 = vector.shape_cast %get3A_252 : vector<1x16xi32> to vector<16xi32>
      %add3A_254 = arith.addi %get3A_253, %get3A_253 : vector<16xi32>
      %add3A_255 = vector.broadcast %arg0 : i32 to vector<16xi32>
      %add3A_256 = arith.addi %add3A_254, %add3A_255 : vector<16xi32>
      %swap3A_257 = arith.index_cast %add3A_213 : i32 to index
      %swap3A_258 = arith.constant 48 : index
      %swap3A_259 = tpu.vector_load %arg7[%swap3A_257, %swap3A_258] {strides = array<i32>} : memref<252x80xi32, #tpu.memory_space<vmem>>, vector<1x16xi32>,
      %swap3A_260 = vector.shape_cast %swap3A_259 : vector<1x16xi32> to vector<16xi32>
      %swap3A_261 = vector.shape_cast %add3A_256 : vector<16xi32> to vector<1x16xi32>
      tpu.vector_store %arg7[%swap3A_257, %swap3A_258], %swap3A_261 {strides = array<i32>} : memref<252x80xi32, #tpu.memory_space<vmem>>, vector<1x16xi32>,
      %get3A_262 = arith.index_cast %add3A_213 : i32 to index
      %get3A_263 = arith.constant 64 : index
      %get3A_264 = tpu.vector_load %arg7[%get3A_262, %get3A_263] {strides = array<i32>} : memref<252x80xi32, #tpu.memory_space<vmem>>, vector<1x16xi32>,
      %get3A_265 = vector.shape_cast %get3A_264 : vector<1x16xi32> to vector<16xi32>
      %add3A_266 = arith.addi %get3A_265, %get3A_265 : vector<16xi32>
      %add3A_267 = vector.broadcast %arg0 : i32 to vector<16xi32>
      %add3A_268 = arith.addi %add3A_266, %add3A_267 : vector<16xi32>
      %swap3A_269 = arith.index_cast %add3A_213 : i32 to index
      %swap3A_270 = arith.constant 64 : index
      %swap3A_271 = tpu.vector_load %arg7[%swap3A_269, %swap3A_270] {strides = array<i32>} : memref<252x80xi32, #tpu.memory_space<vmem>>, vector<1x16xi32>,
      %swap3A_272 = vector.shape_cast %swap3A_271 : vector<1x16xi32> to vector<16xi32>
      %swap3A_273 = vector.shape_cast %add3A_268 : vector<16xi32> to vector<1x16xi32>
      tpu.vector_store %arg7[%swap3A_269, %swap3A_270], %swap3A_273 {strides = array<i32>} : memref<252x80xi32, #tpu.memory_space<vmem>>, vector<1x16xi32>,
      %dma_wait3A_274 = arith.constant 0 : i32
      %dma_wait3A_275 = tpu.memref_slice %arg8[%add3A_103, %dma_wait3A_274] : memref<250x80xi32, #tpu.memory_space<vmem>> -> memref<1x80xi32, #tpu.memory_space<vmem>>
      %dma_wait3A_276 = tpu.memref_squeeze %dma_wait3A_275 : memref<1x80xi32, #tpu.memory_space<vmem>> -> memref<80xi32, #tpu.memory_space<vmem>>
      %dma_wait3A_277 = arith.constant 0 : i32
      %dma_wait3A_278 = arith.constant 0 : i32
      %dma_wait3A_279 = tpu.memref_slice %arg13[%dma_wait3A_277, %dma_wait3A_278] : memref<10240x64xf32, #tpu.memory_space<vmem_shared>> -> memref<10240x64xf32, #tpu.memory_space<vmem_shared>>
      tpu.wait_indirect_dma semaphore(%arg18 : memref<!tpu.dma_semaphore, #tpu.memory_space<semaphore_mem>>) src(%arg10 : memref<80x64xf32, #tpu.memory_space<vmem>>) dst(%dma_wait3A_279 : memref<10240x64xf32, #tpu.memory_space<vmem_shared>>)
      %add3A_280 = arith.constant 2 : i32
      %add3A_281 = arith.addi %add3A_103, %add3A_280 : i32
      %dma_start3A_282 = arith.constant 0 : i32
      %dma_start3A_283 = tpu.memref_slice %arg7[%add3A_281, %dma_start3A_282] : memref<252x80xi32, #tpu.memory_space<vmem>> -> memref<1x80xi32, #tpu.memory_space<vmem>>
      %dma_start3A_284 = tpu.memref_squeeze %dma_start3A_283 : memref<1x80xi32, #tpu.memory_space<vmem>> -> memref<80xi32, #tpu.memory_space<vmem>>
      %dma_start3A_285 = arith.constant 0 : i32
      %dma_start3A_286 = arith.constant 0 : i32
      %dma_start3A_287 = tpu.memref_slice %arg2[%dma_start3A_285, %dma_start3A_286] : memref<20000x64xf32, #tpu.memory_space<hbm>> -> memref<20000x64xf32, #tpu.memory_space<hbm>>
      tpu.enqueue_indirect_dma source(%dma_start3A_287 : memref<20000x64xf32, #tpu.memory_space<hbm>>) target(%arg10 : memref<80x64xf32, #tpu.memory_space<vmem>>) offsets(%dma_start3A_284 : memref<80xi32, #tpu.memory_space<vmem>>) semaphore(%arg16 : memref<!tpu.dma_semaphore, #tpu.memory_space<semaphore_mem>>)
      %eq3A_288 = arith.constant 0 : i32
      %eq3A_289 = arith.cmpi eq, %arg0, %eq3A_288 : i32
      %convert_element_type3A_290 = arith.extui %eq3A_289 : i1 to i32
      %cond3A_291 = arith.constant 0 : i32
      %cond3A_292 = arith.cmpi ne, %convert_element_type3A_290, %cond3A_291 : i32
      scf.if %cond3A_292 {
        %dma_wait3A_294 = arith.constant 0 : i32
        %dma_wait3A_295 = tpu.memref_slice %arg8[%mul3A_101, %dma_wait3A_294] : memref<250x80xi32, #tpu.memory_space<vmem>> -> memref<1x80xi32, #tpu.memory_space<vmem>>
        %dma_wait3A_296 = tpu.memref_squeeze %dma_wait3A_295 : memref<1x80xi32, #tpu.memory_space<vmem>> -> memref<80xi32, #tpu.memory_space<vmem>>
        %dma_wait3A_297 = arith.constant 0 : i32
        %dma_wait3A_298 = arith.constant 0 : i32
        %dma_wait3A_299 = tpu.memref_slice %arg14[%dma_wait3A_297, %dma_wait3A_298] : memref<10240x16xf32, #tpu.memory_space<vmem_shared>> -> memref<10240x16xf32, #tpu.memory_space<vmem_shared>>
        tpu.wait_indirect_dma semaphore(%arg19 : memref<!tpu.dma_semaphore, #tpu.memory_space<semaphore_mem>>) src(%arg11 : memref<80x16xf32, #tpu.memory_space<vmem>>) dst(%dma_wait3A_299 : memref<10240x16xf32, #tpu.memory_space<vmem_shared>>)
        %dma_wait3A_300 = arith.constant 0 : i32
        %dma_wait3A_301 = tpu.memref_slice %arg8[%add3A_103, %dma_wait3A_300] : memref<250x80xi32, #tpu.memory_space<vmem>> -> memref<1x80xi32, #tpu.memory_space<vmem>>
        %dma_wait3A_302 = tpu.memref_squeeze %dma_wait3A_301 : memref<1x80xi32, #tpu.memory_space<vmem>> -> memref<80xi32, #tpu.memory_space<vmem>>
        %dma_wait3A_303 = arith.constant 0 : i32
        %dma_wait3A_304 = arith.constant 0 : i32
        %dma_wait3A_305 = tpu.memref_slice %arg14[%dma_wait3A_303, %dma_wait3A_304] : memref<10240x16xf32, #tpu.memory_space<vmem_shared>> -> memref<10240x16xf32, #tpu.memory_space<vmem_shared>>
        tpu.wait_indirect_dma semaphore(%arg19 : memref<!tpu.dma_semaphore, #tpu.memory_space<semaphore_mem>>) src(%arg11 : memref<80x16xf32, #tpu.memory_space<vmem>>) dst(%dma_wait3A_305 : memref<10240x16xf32, #tpu.memory_space<vmem_shared>>)
      } else {
      }
      %scan3A_293 = arith.constant 0 : i32
      scf.yield %scan3A_293 : i32
    }
    %scan3A_75 = arith.constant 125 : i32
    %dma_wait3A = arith.constant 250 : i32
    %dma_wait3A_76 = arith.constant 0 : i32
    %dma_wait3A_77 = tpu.memref_slice %arg7[%dma_wait3A, %dma_wait3A_76] : memref<252x80xi32, #tpu.memory_space<vmem>> -> memref<1x80xi32, #tpu.memory_space<vmem>>
    %dma_wait3A_78 = tpu.memref_squeeze %dma_wait3A_77 : memref<1x80xi32, #tpu.memory_space<vmem>> -> memref<80xi32, #tpu.memory_space<vmem>>
    %dma_wait3A_79 = arith.constant 0 : i32
    %dma_wait3A_80 = arith.constant 0 : i32
    %dma_wait3A_81 = tpu.memref_slice %arg2[%dma_wait3A_79, %dma_wait3A_80] : memref<20000x64xf32, #tpu.memory_space<hbm>> -> memref<20000x64xf32, #tpu.memory_space<hbm>>
    tpu.wait_indirect_dma semaphore(%arg15 : memref<!tpu.dma_semaphore, #tpu.memory_space<semaphore_mem>>) src(%dma_wait3A_81 : memref<20000x64xf32, #tpu.memory_space<hbm>>) dst(%arg9 : memref<80x64xf32, #tpu.memory_space<vmem>>)
    %dma_wait3A_82 = arith.constant 251 : i32
    %dma_wait3A_83 = arith.constant 0 : i32
    %dma_wait3A_84 = tpu.memref_slice %arg7[%dma_wait3A_82, %dma_wait3A_83] : memref<252x80xi32, #tpu.memory_space<vmem>> -> memref<1x80xi32, #tpu.memory_space<vmem>>
    %dma_wait3A_85 = tpu.memref_squeeze %dma_wait3A_84 : memref<1x80xi32, #tpu.memory_space<vmem>> -> memref<80xi32, #tpu.memory_space<vmem>>
    %dma_wait3A_86 = arith.constant 0 : i32
    %dma_wait3A_87 = arith.constant 0 : i32
    %dma_wait3A_88 = tpu.memref_slice %arg2[%dma_wait3A_86, %dma_wait3A_87] : memref<20000x64xf32, #tpu.memory_space<hbm>> -> memref<20000x64xf32, #tpu.memory_space<hbm>>
    tpu.wait_indirect_dma semaphore(%arg16 : memref<!tpu.dma_semaphore, #tpu.memory_space<semaphore_mem>>) src(%dma_wait3A_88 : memref<20000x64xf32, #tpu.memory_space<hbm>>) dst(%arg10 : memref<80x64xf32, #tpu.memory_space<vmem>>)
    %barrier3A_89 = arith.constant 0 : index
    tpu.barrier barrier_id(%barrier3A_89)
    %mul3A_90 = arith.constant 624 : i32
    %mul3A_91 = arith.muli %arg1, %mul3A_90 : i32
    %lt3A = arith.constant 15 : i32
    %lt3A_92 = arith.cmpi slt, %arg1, %lt3A : i32
    %convert_element_type3A = arith.extui %lt3A_92 : i1 to i32
    %cond3A = arith.constant 0 : i32
    %cond3A_93 = arith.cmpi ne, %convert_element_type3A, %cond3A : i32
    scf.if %cond3A_93 {
      "tpu.region"() ({
        %run_scoped3A = tpu.sem_alloc : memref<!tpu.dma_semaphore, #tpu.memory_space<semaphore_mem>>
        %dma_start3A_103 = arith.constant 0 : i32
        %dma_start3A_104 = tpu.memref_slice %arg5[%arg0, %mul3A_91, %dma_start3A_103] : memref<2x10000x64xf32, #tpu.memory_space<hbm>> -> memref<1x624x64xf32, #tpu.memory_space<hbm>>
        %dma_start3A_105 = tpu.memref_squeeze %dma_start3A_104 : memref<1x624x64xf32, #tpu.memory_space<hbm>> -> memref<624x64xf32, #tpu.memory_space<hbm>>
        %dma_start3A_106 = arith.constant 0 : i32
        %dma_start3A_107 = tpu.memref_slice %arg13[%mul3A_91, %dma_start3A_106] : memref<10240x64xf32, #tpu.memory_space<vmem_shared>> -> memref<624x64xf32, #tpu.memory_space<vmem_shared>>
        tpu.enqueue_dma source(%dma_start3A_107 : memref<624x64xf32, #tpu.memory_space<vmem_shared>>) target(%dma_start3A_105 : memref<624x64xf32, #tpu.memory_space<hbm>>) target_semaphore(%run_scoped3A : memref<!tpu.dma_semaphore, #tpu.memory_space<semaphore_mem>>)
        %dma_wait3A_108 = arith.constant 0 : i32
        %dma_wait3A_109 = tpu.memref_slice %arg5[%arg0, %mul3A_91, %dma_wait3A_108] : memref<2x10000x64xf32, #tpu.memory_space<hbm>> -> memref<1x624x64xf32, #tpu.memory_space<hbm>>
        %dma_wait3A_110 = tpu.memref_squeeze %dma_wait3A_109 : memref<1x624x64xf32, #tpu.memory_space<hbm>> -> memref<624x64xf32, #tpu.memory_space<hbm>>
        %dma_wait3A_111 = arith.constant 0 : i32
        %dma_wait3A_112 = tpu.memref_slice %arg13[%mul3A_91, %dma_wait3A_111] : memref<10240x64xf32, #tpu.memory_space<vmem_shared>> -> memref<624x64xf32, #tpu.memory_space<vmem_shared>>
        tpu.wait_dma2 semaphore(%run_scoped3A : memref<!tpu.dma_semaphore, #tpu.memory_space<semaphore_mem>>) src(%dma_wait3A_112 : memref<624x64xf32, #tpu.memory_space<vmem_shared>>) dst(%dma_wait3A_110 : memref<624x64xf32, #tpu.memory_space<hbm>>)
        tpu.yield
      }) : () -> ()
      %eq3A_98 = arith.constant 0 : i32
      %eq3A_99 = arith.cmpi eq, %arg0, %eq3A_98 : i32
      %convert_element_type3A_100 = arith.extui %eq3A_99 : i1 to i32
      %cond3A_101 = arith.constant 0 : i32
      %cond3A_102 = arith.cmpi ne, %convert_element_type3A_100, %cond3A_101 : i32
      scf.if %cond3A_102 {
        "tpu.region"() ({
          %run_scoped3A = tpu.sem_alloc : memref<!tpu.dma_semaphore, #tpu.memory_space<semaphore_mem>>
          %dma_start3A_103 = arith.constant 0 : i32
          %dma_start3A_104 = tpu.memref_slice %arg6[%mul3A_91, %dma_start3A_103] : memref<10000x16xf32, #tpu.memory_space<hbm>> -> memref<624x16xf32, #tpu.memory_space<hbm>>
          %dma_start3A_105 = arith.constant 0 : i32
          %dma_start3A_106 = tpu.memref_slice %arg14[%mul3A_91, %dma_start3A_105] : memref<10240x16xf32, #tpu.memory_space<vmem_shared>> -> memref<624x16xf32, #tpu.memory_space<vmem_shared>>
          tpu.enqueue_dma source(%dma_start3A_106 : memref<624x16xf32, #tpu.memory_space<vmem_shared>>) target(%dma_start3A_104 : memref<624x16xf32, #tpu.memory_space<hbm>>) target_semaphore(%run_scoped3A : memref<!tpu.dma_semaphore, #tpu.memory_space<semaphore_mem>>)
          %dma_wait3A_107 = arith.constant 0 : i32
          %dma_wait3A_108 = tpu.memref_slice %arg6[%mul3A_91, %dma_wait3A_107] : memref<10000x16xf32, #tpu.memory_space<hbm>> -> memref<624x16xf32, #tpu.memory_space<hbm>>
          %dma_wait3A_109 = arith.constant 0 : i32
          %dma_wait3A_110 = tpu.memref_slice %arg14[%mul3A_91, %dma_wait3A_109] : memref<10240x16xf32, #tpu.memory_space<vmem_shared>> -> memref<624x16xf32, #tpu.memory_space<vmem_shared>>
          tpu.wait_dma2 semaphore(%run_scoped3A : memref<!tpu.dma_semaphore, #tpu.memory_space<semaphore_mem>>) src(%dma_wait3A_110 : memref<624x16xf32, #tpu.memory_space<vmem_shared>>) dst(%dma_wait3A_108 : memref<624x16xf32, #tpu.memory_space<hbm>>)
          tpu.yield
        }) : () -> ()
      } else {
      }
    } else {
    }
    %eq3A = arith.constant 15 : i32
    %eq3A_94 = arith.cmpi eq, %arg1, %eq3A : i32
    %convert_element_type3A_95 = arith.extui %eq3A_94 : i1 to i32
    %cond3A_96 = arith.constant 0 : i32
    %cond3A_97 = arith.cmpi ne, %convert_element_type3A_95, %cond3A_96 : i32
    scf.if %cond3A_97 {
      "tpu.region"() ({
        %run_scoped3A = tpu.sem_alloc : memref<!tpu.dma_semaphore, #tpu.memory_space<semaphore_mem>>
        %dma_start3A_103 = arith.constant 0 : i32
        %dma_start3A_104 = tpu.memref_slice %arg5[%arg0, %mul3A_91, %dma_start3A_103] : memref<2x10000x64xf32, #tpu.memory_space<hbm>> -> memref<1x640x64xf32, #tpu.memory_space<hbm>>
        %dma_start3A_105 = tpu.memref_squeeze %dma_start3A_104 : memref<1x640x64xf32, #tpu.memory_space<hbm>> -> memref<640x64xf32, #tpu.memory_space<hbm>>
        %dma_start3A_106 = arith.constant 0 : i32
        %dma_start3A_107 = tpu.memref_slice %arg13[%mul3A_91, %dma_start3A_106] : memref<10240x64xf32, #tpu.memory_space<vmem_shared>> -> memref<640x64xf32, #tpu.memory_space<vmem_shared>>
        tpu.enqueue_dma source(%dma_start3A_107 : memref<640x64xf32, #tpu.memory_space<vmem_shared>>) target(%dma_start3A_105 : memref<640x64xf32, #tpu.memory_space<hbm>>) target_semaphore(%run_scoped3A : memref<!tpu.dma_semaphore, #tpu.memory_space<semaphore_mem>>)
        %dma_wait3A_108 = arith.constant 0 : i32
        %dma_wait3A_109 = tpu.memref_slice %arg5[%arg0, %mul3A_91, %dma_wait3A_108] : memref<2x10000x64xf32, #tpu.memory_space<hbm>> -> memref<1x640x64xf32, #tpu.memory_space<hbm>>
        %dma_wait3A_110 = tpu.memref_squeeze %dma_wait3A_109 : memref<1x640x64xf32, #tpu.memory_space<hbm>> -> memref<640x64xf32, #tpu.memory_space<hbm>>
        %dma_wait3A_111 = arith.constant 0 : i32
        %dma_wait3A_112 = tpu.memref_slice %arg13[%mul3A_91, %dma_wait3A_111] : memref<10240x64xf32, #tpu.memory_space<vmem_shared>> -> memref<640x64xf32, #tpu.memory_space<vmem_shared>>
        tpu.wait_dma2 semaphore(%run_scoped3A : memref<!tpu.dma_semaphore, #tpu.memory_space<semaphore_mem>>) src(%dma_wait3A_112 : memref<640x64xf32, #tpu.memory_space<vmem_shared>>) dst(%dma_wait3A_110 : memref<640x64xf32, #tpu.memory_space<hbm>>)
        tpu.yield
      }) : () -> ()
      %eq3A_98 = arith.constant 0 : i32
      %eq3A_99 = arith.cmpi eq, %arg0, %eq3A_98 : i32
      %convert_element_type3A_100 = arith.extui %eq3A_99 : i1 to i32
      %cond3A_101 = arith.constant 0 : i32
      %cond3A_102 = arith.cmpi ne, %convert_element_type3A_100, %cond3A_101 : i32
      scf.if %cond3A_102 {
        "tpu.region"() ({
          %run_scoped3A = tpu.sem_alloc : memref<!tpu.dma_semaphore, #tpu.memory_space<semaphore_mem>>
          %dma_start3A_103 = arith.constant 0 : i32
          %dma_start3A_104 = tpu.memref_slice %arg6[%mul3A_91, %dma_start3A_103] : memref<10000x16xf32, #tpu.memory_space<hbm>> -> memref<640x16xf32, #tpu.memory_space<hbm>>
          %dma_start3A_105 = arith.constant 0 : i32
          %dma_start3A_106 = tpu.memref_slice %arg14[%mul3A_91, %dma_start3A_105] : memref<10240x16xf32, #tpu.memory_space<vmem_shared>> -> memref<640x16xf32, #tpu.memory_space<vmem_shared>>
          tpu.enqueue_dma source(%dma_start3A_106 : memref<640x16xf32, #tpu.memory_space<vmem_shared>>) target(%dma_start3A_104 : memref<640x16xf32, #tpu.memory_space<hbm>>) target_semaphore(%run_scoped3A : memref<!tpu.dma_semaphore, #tpu.memory_space<semaphore_mem>>)
          %dma_wait3A_107 = arith.constant 0 : i32
          %dma_wait3A_108 = tpu.memref_slice %arg6[%mul3A_91, %dma_wait3A_107] : memref<10000x16xf32, #tpu.memory_space<hbm>> -> memref<640x16xf32, #tpu.memory_space<hbm>>
          %dma_wait3A_109 = arith.constant 0 : i32
          %dma_wait3A_110 = tpu.memref_slice %arg14[%mul3A_91, %dma_wait3A_109] : memref<10240x16xf32, #tpu.memory_space<vmem_shared>> -> memref<640x16xf32, #tpu.memory_space<vmem_shared>>
          tpu.wait_dma2 semaphore(%run_scoped3A : memref<!tpu.dma_semaphore, #tpu.memory_space<semaphore_mem>>) src(%dma_wait3A_110 : memref<640x16xf32, #tpu.memory_space<vmem_shared>>) dst(%dma_wait3A_108 : memref<640x16xf32, #tpu.memory_space<hbm>>)
          tpu.yield
        }) : () -> ()
      } else {
      }
    } else {
    }
    return
  }
}

module attributes {stable_mosaic.version = 14 : i64} {
  func.func @body(%arg0: i32, %arg1: memref<1000x128xf32, #tpu.memory_space<vmem>>, %arg2: memref<1000x64xf32, #tpu.memory_space<vmem>>, %arg3: memref<1000x64xf32, #tpu.memory_space<vmem>>, %arg4: memref<1000x16xf32, #tpu.memory_space<vmem>>, %arg5: memref<128x128xf32, #tpu.memory_space<vmem>>, %arg6: memref<128x128xf32, #tpu.memory_space<vmem>>, %arg7: memref<1x128xf32, #tpu.memory_space<vmem>>, %arg8: memref<1000x128xf32, #tpu.memory_space<vmem>>) attributes {dimension_semantics = [#tpu.dimension_semantics<arbitrary>], iteration_bounds = array<i64: 10>, scalar_prefetch = 0 : i64, scratch_operands = 0 : i64, tpu.core_type = #tpu.core_type<tc>, window_params = [{transform_indices = @transform_0, window_bounds = array<i64: 1000, 128>}, {transform_indices = @transform_1, window_bounds = array<i64: 1000, 64>}, {transform_indices = @transform_2, window_bounds = array<i64: 1000, 64>}, {transform_indices = @transform_3, window_bounds = array<i64: 1000, 16>}, {pipeline_mode = #tpu.pipeline_mode<synchronous>, transform_indices = @transform_4, window_bounds = array<i64: 128, 128>}, {pipeline_mode = #tpu.pipeline_mode<synchronous>, transform_indices = @transform_5, window_bounds = array<i64: 128, 128>}, {pipeline_mode = #tpu.pipeline_mode<synchronous>, transform_indices = @transform_6, window_bounds = array<i64: 1, 128>}, {transform_indices = @transform_7, window_bounds = array<i64: 1000, 128>}]} {
    %get3A = arith.constant 0 : index
    %get3A_0 = arith.constant 0 : index
    %get3A_1 = vector.load %arg4[%get3A, %get3A_0] : memref<1000x16xf32, #tpu.memory_space<vmem>>, vector<1000x1xf32>
    %max3A = arith.constant 1.000000e+00 : f32
    %max3A_2 = vector.broadcast %max3A : f32 to vector<1000x1xf32>
    %max3A_3 = arith.maximumf %get3A_1, %max3A_2 : vector<1000x1xf32>
    %div3A = arith.constant 1.000000e+00 : f32
    %div3A_4 = vector.broadcast %div3A : f32 to vector<1000x1xf32>
    %div3A_5 = arith.divf %div3A_4, %max3A_3 : vector<1000x1xf32>
    %get3A_6 = arith.constant 0 : index
    %get3A_7 = arith.constant 0 : index
    %get3A_8 = vector.load %arg2[%get3A_6, %get3A_7] : memref<1000x64xf32, #tpu.memory_space<vmem>>, vector<1000x64xf32>
    %get3A_9 = arith.constant 0 : index
    %get3A_10 = arith.constant 0 : index
    %get3A_11 = vector.load %arg3[%get3A_9, %get3A_10] : memref<1000x64xf32, #tpu.memory_space<vmem>>, vector<1000x64xf32>
    %concatenate3A = tpu.concatenate %get3A_8, %get3A_11 in 1 : vector<1000x64xf32>, vector<1000x64xf32> -> vector<1000x128xf32>
    %mul3A = vector.broadcast %div3A_5 : vector<1000x1xf32> to vector<1000x128xf32>
    %mul3A_12 = arith.mulf %concatenate3A, %mul3A : vector<1000x128xf32>
    %get3A_13 = arith.constant 0 : index
    %get3A_14 = arith.constant 0 : index
    %get3A_15 = vector.load %arg1[%get3A_13, %get3A_14] : memref<1000x128xf32, #tpu.memory_space<vmem>>, vector<1000x128xf32>
    %get3A_16 = arith.constant 0 : index
    %get3A_17 = arith.constant 0 : index
    %get3A_18 = vector.load %arg5[%get3A_16, %get3A_17] : memref<128x128xf32, #tpu.memory_space<vmem>>, vector<128x128xf32>
    %dot_general3A = arith.constant dense<0.000000e+00> : vector<1000x128xf32>
    %dot_general3A_19 = tpu.matmul %get3A_15, %get3A_18, %dot_general3A {dimension_numbers = #tpu.dot_dimension_numbers<[1], [0], [0], [1], [0, 0, 1, 1], [], []>, transpose_lhs_hint = false} : vector<1000x128xf32>, vector<128x128xf32>, vector<1000x128xf32> -> vector<1000x128xf32>
    %get3A_20 = arith.constant 0 : index
    %get3A_21 = arith.constant 0 : index
    %get3A_22 = vector.load %arg6[%get3A_20, %get3A_21] : memref<128x128xf32, #tpu.memory_space<vmem>>, vector<128x128xf32>
    %dot_general3A_23 = arith.constant dense<0.000000e+00> : vector<1000x128xf32>
    %dot_general3A_24 = tpu.matmul %mul3A_12, %get3A_22, %dot_general3A_23 {dimension_numbers = #tpu.dot_dimension_numbers<[1], [0], [0], [1], [0, 0, 1, 1], [], []>, transpose_lhs_hint = false} : vector<1000x128xf32>, vector<128x128xf32>, vector<1000x128xf32> -> vector<1000x128xf32>
    %add3A = arith.addf %dot_general3A_19, %dot_general3A_24 : vector<1000x128xf32>
    %get3A_25 = arith.constant 0 : index
    %get3A_26 = arith.constant 0 : index
    %get3A_27 = vector.load %arg7[%get3A_25, %get3A_26] : memref<1x128xf32, #tpu.memory_space<vmem>>, vector<1x128xf32>
    %add3A_28 = vector.broadcast %get3A_27 : vector<1x128xf32> to vector<1000x128xf32>
    %add3A_29 = arith.addf %add3A, %add3A_28 : vector<1000x128xf32>
    %swap3A = arith.constant 0 : index
    %swap3A_30 = arith.constant 0 : index
    %swap3A_31 = vector.load %arg8[%swap3A, %swap3A_30] : memref<1000x128xf32, #tpu.memory_space<vmem>>, vector<1000x128xf32>
    tpu.vector_store %arg8[%swap3A, %swap3A_30], %add3A_29 {strides = array<i32>} : memref<1000x128xf32, #tpu.memory_space<vmem>>, vector<1000x128xf32>,
    return
  }
  func.func @transform_0(%arg0: i32) -> (i32, i32) {
    %c0_i32 = arith.constant 0 : i32
    %c0_i32_0 = arith.constant 0 : i32
    return %arg0, %c0_i32 : i32, i32
  }
  func.func @transform_1(%arg0: i32) -> (i32, i32) {
    %c0_i32 = arith.constant 0 : i32
    %c0_i32_0 = arith.constant 0 : i32
    return %arg0, %c0_i32 : i32, i32
  }
  func.func @transform_2(%arg0: i32) -> (i32, i32) {
    %c0_i32 = arith.constant 0 : i32
    %c0_i32_0 = arith.constant 0 : i32
    return %arg0, %c0_i32 : i32, i32
  }
  func.func @transform_3(%arg0: i32) -> (i32, i32) {
    %c0_i32 = arith.constant 0 : i32
    %c0_i32_0 = arith.constant 0 : i32
    return %arg0, %c0_i32 : i32, i32
  }
  func.func @transform_4(%arg0: i32) -> (i32, i32) {
    %c0_i32 = arith.constant 0 : i32
    %c0_i32_0 = arith.constant 0 : i32
    %c0_i32_1 = arith.constant 0 : i32
    return %c0_i32, %c0_i32_0 : i32, i32
  }
  func.func @transform_5(%arg0: i32) -> (i32, i32) {
    %c0_i32 = arith.constant 0 : i32
    %c0_i32_0 = arith.constant 0 : i32
    %c0_i32_1 = arith.constant 0 : i32
    return %c0_i32, %c0_i32_0 : i32, i32
  }
  func.func @transform_6(%arg0: i32) -> (i32, i32) {
    %c0_i32 = arith.constant 0 : i32
    %c0_i32_0 = arith.constant 0 : i32
    %c0_i32_1 = arith.constant 0 : i32
    return %c0_i32, %c0_i32_0 : i32, i32
  }
  func.func @transform_7(%arg0: i32) -> (i32, i32) {
    %c0_i32 = arith.constant 0 : i32
    %c0_i32_0 = arith.constant 0 : i32
    return %arg0, %c0_i32 : i32, i32
  }
}

</mosaic_0001>

<sc_bundles>
// kernel: kernel.4.cloned.1.call-start
scs
__scs_entry_jumppad:
0x0: {  	(pc) =	sbr.rel $0x88, $3  }
0x1: {  	(tag) =	ssettag $0x0;
	lr =	simm.s32 $0x1  }
0x2: {  	[smem:$0x3F9C] =	sst lr;
	_ =	strace $0xD0000000  }
0x3: {  	_ = 	snop  }
0x4: {  	_ = 	snop  }
0x5: {  	_ = 	snop  }
0x6: {  	_ = 	snop  }
0x7: {  	_ = 	snop  }
__scs_overlays_trampoline_lowered:
0x8: {  	[smem:$0x3FAB] =	sst s0  }
0x9: {  	[smem:$0x3FAC] =	sst s1  }
0xa: {  	[smem:$0x3FAD] =	sst s2  }
0xb: {  	[smem:$0x3FAE] =	sst s3  }
0xc: {  	[smem:$0x3FAF] =	sst s4  }
0xd: {  	[smem:$0x3FB0] =	sst s5  }
0xe: {  	[smem:$0x3FB1] =	sst s6  }
0xf: {  	[smem:$0x3FB2] =	sst s7  }
0x10: {  	[smem:$0x3FB3] =	sst s8  }
0x11: {  	[smem:$0x3FB4] =	sst s9;
	s0 =	simm.s32 @!p0 $0x0  }
0x12: {  	s1 =	sld [smem:$0x3F9A];
	s0 =	simm.s32 @p0 $0x1  }
0x13: {  	[smem:$0x3FB5] =	sst s0;
	s0 =	simm.s32 @!p1 $0x0  }
0x14: {  	s2 =	sld [smem:$0x3F99];
	s0 =	simm.s32 @p1 $0x1  }
0x15: {  	[smem:$0x3FB6] =	sst s0;
	s0 =	simm.s32 @!p2 $0x0  }
0x16: {  	s3 =	sld [smem:$0x3FDB];
	s0 =	simm.s32 @p2 $0x1  }
0x17: {  	s4 =	simm.s32 $0x1BF5;
	[smem:$0x3FB8] =	sst s0  }
0x18: {  	s0 =	sld [smem:$0x3F9B];
	_ =	swait.ge [sflag:s4], $0x0  }
0x19: {  	s7 =	sld [smem:$0x3F9C]  }
0x1a: {  	s8 =	sadd.s32 $0xFFFFE003, lr  }
0x1b: {  	s9 =	sadd.s32 $0xFFFFFEF7, lr;
	s5 =	simm.s32 $0xFFFFFFFF;
	p2 =	slt.u32 s8, $0xFFFFF086  }
0x1c: {  	p1 =	slt.u32 s9, $0xF7A;
	s5 =	simm.s32 @!p2 $0x0  }
0x1d: {  	s5 =	simm.s32 @p1 $0x1;
	p0 =	seq.s32 s7, s2  }
0x1e: {  	s7 =	smul.u32 @!p0 $0xF7A, s2;
	p2 =	seq.s32 @!p0 s5, $0x0  }
0x1f: {  	s9 =	smul.u32 $0xF7A, s1;
	s8 =	simm.s32 @!p0 $0x1BF5;
	p2 =	por !p2, p0  }
0x20: {  	[sflag:s8] =	ssyncset.s32 @!p0 $0xFFFFF086;
	s6 =	sadd.s32 @!p0 s3, s7;
	s7 =	simm.s32 @!p0 $0x108  }
0x21: {  	s3 =	sadd.s32 s3, s9;
	s6 =	sadd.s32 @!p0 $0x88, s6;
	s7 =	simm.s32 @p2 $0x1082  }
0x22: {  	[simem:s7], [sflag:s8] =	dma.local @!p0 [hbm:s6], $0xF7A  }
0x23: {  	s9 =	sor.u32 $0xD0000000, s2;
	s6 =	simm.s32 $0x108;
	_ =	swait.ge @!p0 [sflag:s8], $0x0  }
0x24: {  	s3 =	sadd.s32 $0x88, s3;
	s6 =	simm.s32 @!p1 $0x1082;
	[sflag:s4] =	ssyncset.s32 $0xFFFFF086  }
0x25: {  	[simem:s6], [sflag:s4] =	dma.local [hbm:s3], $0xF7A  }
0x26: {  	[smem:$0x3F9C] =	sst s1;
	(tag) =	ssettag s2;
	_ =	strace s9  }
0x27: {  	s1 =	sld [smem:$0x3FAC]  }
0x28: {  	s2 =	sld [smem:$0x3FAD]  }
0x29: {  	s4 =	sld [smem:$0x3FAF]  }
0x2a: {  	p0 =	seq.s32 s5, $0x0;
	s5 =	sld [smem:$0x3FB0]  }
0x2b: {  	s6 =	sld [smem:$0x3FB1]  }
0x2c: {  	s7 =	sld [smem:$0x3FB2]  }
0x2d: {  	s3 =	simm.s32 $0x108;
	s8 =	sld [smem:$0x3FB3]  }
0x2e: {  	s3 =	simm.s32 @!p0 $0x1082;
	s9 =	sld [smem:$0x3FB4]  }
0x2f: {  	lr =	sadd.s32 s0, s3;
	s0 =	sld [smem:$0x3FAB]  }
0x30: {  	s3 =	sld [smem:$0x3FAE]  }
0x31: {  	[smem:$0x3FB7] =	sst s10  }
0x32: {  	s10 =	sld [smem:$0x3FB5];
	_ =	sdelay $0x3  }
0x33: {  	p0 =	seq.s32 s10, $0x1;
	s10 =	sld [smem:$0x3FB7];
	_ =	sdelay $0x3  }
0x34: {  	[smem:$0x3FB7] =	sst s10  }
0x35: {  	s10 =	sld [smem:$0x3FB6];
	_ =	sdelay $0x3  }
0x36: {  	p1 =	seq.s32 s10, $0x1;
	s10 =	sld [smem:$0x3FB7];
	_ =	sdelay $0x3  }
0x37: {  	[smem:$0x3FB7] =	sst s10  }
0x38: {  	s10 =	sld [smem:$0x3FB8]  }
0x39: {  	_ = 	snop;
	(pc) =	sbr.ind lr, $3  }
0x3a: {  	_ = 	snop  }
0x3b: {  	_ = 	snop  }
0x3c: {  	p2 =	seq.s32 s10, $0x1;
	s10 =	sld [smem:$0x3FB7]  }
0x3d: {  	_ =	shalt  }
0x3e: {  	_ =	shalt  }
0x3f: {  	_ =	shalt  }
0x40: {  	_ =	shalt  }
0x41: {  	_ =	shalt  }
0x42: {  	_ =	shalt  }
0x43: {  	_ =	shalt  }
0x44: {  	_ =	shalt  }
0x45: {  	_ =	shalt  }
0x46: {  	_ =	shalt  }
0x47: {  	_ =	shalt  }
0x48: {  	_ =	shalt  }
0x49: {  	_ =	shalt  }
0x4a: {  	_ =	shalt  }
0x4b: {  	_ =	shalt  }
0x4c: {  	_ =	shalt  }
0x4d: {  	_ =	shalt  }
0x4e: {  	_ =	shalt  }
0x4f: {  	_ =	shalt  }
0x50: {  	_ =	shalt  }
0x51: {  	_ =	shalt  }
0x52: {  	_ =	shalt  }
0x53: {  	_ =	shalt  }
0x54: {  	_ =	shalt  }
0x55: {  	_ =	shalt  }
0x56: {  	_ =	shalt  }
0x57: {  	_ =	shalt  }
0x58: {  	_ =	shalt  }
0x59: {  	_ =	shalt  }
0x5a: {  	_ =	shalt  }
0x5b: {  	_ =	shalt  }
0x5c: {  	_ =	shalt  }
0x5d: {  	_ =	shalt  }
0x5e: {  	_ =	shalt  }
0x5f: {  	_ =	shalt  }
0x60: {  	_ =	shalt  }
0x61: {  	_ =	shalt  }
0x62: {  	_ =	shalt  }
0x63: {  	_ =	shalt  }
0x64: {  	_ =	shalt  }
0x65: {  	_ =	shalt  }
0x66: {  	_ =	shalt  }
0x67: {  	_ =	shalt  }
0x68: {  	_ =	shalt  }
0x69: {  	_ =	shalt  }
0x6a: {  	_ =	shalt  }
0x6b: {  	_ =	shalt  }
0x6c: {  	_ =	shalt  }
0x6d: {  	_ =	shalt  }
0x6e: {  	_ =	shalt  }
0x6f: {  	_ =	shalt  }
0x70: {  	_ =	shalt  }
0x71: {  	_ =	shalt  }
0x72: {  	_ =	shalt  }
0x73: {  	_ =	shalt  }
0x74: {  	_ =	shalt  }
0x75: {  	_ =	shalt  }
0x76: {  	_ =	shalt  }
0x77: {  	_ =	shalt  }
0x78: {  	_ =	shalt  }
0x79: {  	_ =	shalt  }
0x7a: {  	_ =	shalt  }
0x7b: {  	_ =	shalt  }
0x7c: {  	_ =	shalt  }
0x7d: {  	_ =	shalt  }
0x7e: {  	_ =	shalt  }
0x7f: {  	_ =	shalt  }
0x80: {  	_ =	shalt  }
0x81: {  	_ =	shalt  }
0x82: {  	_ =	shalt  }
0x83: {  	_ =	shalt  }
0x84: {  	_ =	shalt  }
0x85: {  	_ =	shalt  }
0x86: {  	_ =	shalt  }
0x87: {  	_ =	shalt  }
.Lfunc_end0:
.L_simem_size_0:
called_computation_lowered:
.L_overlay_start_0:
0x88: {  	s2 =	sld [smem:$0x3FD9]  }
0x89: {  	s3 =	sld [smem:$0x3FFE];
	_ =	sdelay $0x1  }
0x8a: {  	s1 =	srdreg.scid  }
0x8b: {  	s0 =	sand.u32 $0x1, s1  }
0x8c: {  	s17 =	sshll.u32 s0, $0xA;
	s2 =	sadd.s32 s3, s2  }
0x8d: {  	s2 =	sadd.s32 s2, s17  }
0x8e: {  	[smem:$0x3FC3] =	sst s2  }
0x8f: {  	_ = 	snop  }
0x90: {  	s2 =	sld [smem:$0x3FC9]  }
0x91: {  	s18 =	sld [smem:$0x3FD0];
	(tm) =	ssettm $0x1  }
0x92: {  	s4 =	sld [smem:$0x3FFB];
	_ =	sdelay $0x3  }
0x93: {  	_ =	strace s4  }
0x94: {  	s4 =	sld [smem:$0x3FFC];
	_ =	sdelay $0x3  }
0x95: {  	_ =	strace s4  }
0x96: {  	s4 =	sld [smem:$0x3FFD];
	_ =	sdelay $0x3  }
0x97: {  	_ =	strace s4  }
0x98: {  	_ =	strace $0x8FFFFFFF  }
0x99: {  	s19 =	sld [smem:$0x3FDB];
	_ =	sdelay $0x1  }
0x9a: {  	s5 =	simm.s32 $_scs_section_size  }
0x9b: {  	s6 =	simm.s32 $_size__tile_overlayer_lowered;
	s7 =	simm.s32 $_tile_overlayer_lowered  }
0x9c: {  	s22 =	simm.s32 $0x1BFF;
	s21 =	sshll.u32 s7, $0x1;
	s4 =	sadd.s32 s5, s19  }
0x9d: {  	s8 =	simm.s32 $0x0;
	s20 =	sshll.u32 s6, $0x1;
	s6 =	sadd.s32 s21, s4  }
0x9e: {  	[timem:s8], [sflag:s22] =	dma.local [hbm:s6], s20  }
0x9f: {  	_ =	swait.ge [sflag:s22], s20  }
0xa0: {  	s5 =	ssub.s32 $0x0, s20;
	[sflag:s22] =	ssyncset.done $0x0  }
0xa1: {  	[sflag:s22] =	ssyncadd.s32 s5;
	_ =	sdelay $0x1  }
0xa2: {  	s23 =	simm.s32 $0x1B8B  }
0xa3: {  	_ =	swait.ge [sflag:s23], $0x1  }
0xa4: {  	[sflag:s23] =	ssyncset.done $0x0  }
0xa5: {  	s25 =	simm.s32 $0x1B8E;
	s24 =	sld [smem:$0x3FFE];
	[sflag:s23] =	ssyncadd.s32 $0xFFFFFFFF  }
0xa6: {  	s26 =	simm.s32 $execute0_lowered;
	[smem:$0x3FD2] =	sst s25  }
0xa7: {  	s6 =	sshll.u32 s26, $0x1;
	_ =	strace $0x80000046;
	[dreg:$0x1] =	wrdreg $0xFFFFFFFF  }
0xa8: {  	s28 =	simm.s32 $_size_execute0_lowered;
	s4 =	sadd.s32 s4, s6;
	[dreg:$0x0] =	wrdreg $0x0  }
0xa9: {  	s6 =	sshll.u32 s28, $0x1;
	[dreg:$0x2] =	wrdreg s4  }
0xaa: {  	[dreg:$0x3] =	wrdreg s6  }
0xab: {  	[dreg:$0x4] =	wrdreg $0xC0  }
0xac: {  	_ =	task [dreg:s8], $0x5FFFF  }
0xad: {  	[dreg:$0x1] =	wrdreg $0xFFFFFFFF  }
0xae: {  	[dreg:$0x0] =	wrdreg $0x60  }
0xaf: {  	[dreg:$0x2] =	wrdreg s2  }
0xb0: {  	[dreg:$0x3] =	wrdreg s24  }
0xb1: {  	[dreg:$0x4] =	wrdreg s18  }
0xb2: {  	[dreg:$0x5] =	wrdreg $0xDDE00  }
0xb3: {  	[dreg:$0x6] =	wrdreg $0x17DE00  }
0xb4: {  	[dreg:$0x7] =	wrdreg $0x9  }
0xb5: {  	_ =	task.clear_ibuf [dreg:s8], $0x8FFFF;
	_ =	strace $0x90000046  }
0xb6: {  	s29 =	simm.s32 $0x9;
	_ =	strace $0x80000048  }
0xb7: {  	_ =	swait.ge [sflag:s29], $0x1  }
0xb8: {  	[sflag:s29] =	ssyncadd.s32 $0xFFFFFFFF  }
0xb9: {  	_ =	strace $0x90000048  }
0xba: {  	_ =	sfence  }
0xbb: {  	s30 =	sld [smem:$0x0];
	_ =	sdelay $0x2  }
0xbc: {  	s31 =	sshll.u32 s1, $0xD;
	s1 =	sshrl.u32 s1, $0x2  }
0xbd: {  	s3 =	sand.u32 $0x4000, s31;
	s1 =	sadd.s32 s1, s30  }
0xbe: {  	s0 =	sor.u32 s3, s0;
	s1 =	sshll.u32 s1, $0x11  }
0xbf: {  	s0 =	sor.u32 s1, s0  }
0xc0: {  	s0 =	sadd.s32 $0x8F2B, s0  }
0xc1: {  	[sflag:s0] =	ssyncadd.remote.s32 $0x1  }
0xc2: {  	_ =	sfence.sel $0xFFFF  }
0xc3: {  	[dreg:$0x0] =	wrdreg $0xFFFFFFFF;
	(pc) =	sbr.abs _section_cstart, $3  }
0xc4: {  	[dreg:$0x1] =	wrdreg $0xFFFFFFFF  }
0xc5: {  	_ =	task.clear_ibuf [dreg:s8], $0x2FFFF;
	_ =	strace $0x9FFFFFFF  }
0xc6: {  	(tm) =	ssettm $0x7FFFFFFF  }
0xc7: {  	_ =	shalt  }
tec
execute0_lowered:
.L_overlay_start_1:
0x0: {  	(tag) =	ssettag $0x1  }
0x1: {  	s1 =	rddreg [dreg:$0x0]  }
0x2: {  	s0 =	rddreg [dreg:$0x1]  }
0x3: {  	s2 =	rddreg [dreg:$0x2]  }
0x4: {  	s3 =	rddreg [dreg:$0x3];
	s16 =	stileid.u32  }
0x5: {  	s4 =	rddreg [dreg:$0x4];
	s5 =	simm.s32 $0x0;
	s6 =	smul.u32 $0x9C4, s16  }
0x6: {  	s7 =	srdreg.scid;
	s28 =	simm.s32 $0x6;
	s8 =	smul.u32 $0x2700, s16  }
0x7: {  	s30 =	simm.s32 $0x9CE0;
	s29 =	simm.s32 $0xB0E0;
	s10 =	smul.u32 $0x28000, s16  }
0x8: {  	[smem:$0x7FF] =	sst s5;
	s9 =	sand.u32 $0x1, s7;
	s15 =	smul.u32 $0x280, s16  }
0x9: {  	s18 =	smul.u32 $0xA000, s16;
	p0 =	seq.s32 s16, $0xF;
	_ =	strace $0x80000047  }
0xa: {  	s7 =	ssub.s32 $0x2, s9;
	s19 =	smul.u32 $0x9C400, s9;
	p2 =	sne.s32 @p0 s9, $0x0  }
0xb: {  	p1 =	sne.s32 s9, $0x0;
	p3 =	sne.s32 @!p0 s9, $0x0;
	v0 =	vmov s9;
	s9 =	simm.s32 $0x2  }
0xc: {  	s6 =	sadd.s32 s6, s0;
	s11 =	sshrl.u32 s8, $0x3;
	s12 =	sshrl.u32 s7, $0x1  }
0xd: {  	s13 =	sshrl.u32 s10, $0x2;
	s10 =	sadd.s32 $0x140, s15;
	s15 =	smul.u32 $0x9C00, s16  }
0xe: {  	s8 =	sadd.s32 s8, s4;
	s11 =	sadd.s32 s11, s0;
	s14 =	sadd.s32 $0xB000, s6  }
0xf: {  	s12 =	ssub.s32 s7, s12;
	s6 =	sadd.s32 $0x1200, s6;
	[dreg:$0x6] =	wrdreg s14  }
0x10: {  	s7 =	sadd.s32 s13, s3;
	s0 =	sadd.s32 $0x19720, s0;
	[dreg:$0x7] =	wrdreg s6  }
0x11: {  	p2 =	por p2, !p0;
	s17 =	sadd.s32 $0x1400, s7;
	[dreg:$0x12] =	wrdreg s0  }
0x12: {  	p3 =	por p3, p0;
	s13 =	sadd.s32 $0x2800, s7;
	[dreg:$0x8] =	wrdreg s17  }
0x13: {  	s20 =	sshll.u32 s10, $0x6;
	s14 =	sadd.s32 $0x3C00, s7;
	[dreg:$0x9] =	wrdreg s13  }
0x14: {  	s22 =	sshll.u32 s10, $0x4;
	s21 =	sadd.s32 $0x6400, s7;
	[dreg:$0xa] =	wrdreg s14  }
0x15: {  	s25 =	sshrl.u32 s19, $0x3;
	s26 =	sadd.s32 $0x14E00, s11;
	[dreg:$0xc] =	wrdreg s21  }
0x16: {  	s10 =	simm.s32 $0x0;
	s31 =	smax.u32 s12, $0x1;
	[dreg:$0x10] =	wrdreg s26  }
0x17: {  	s6 =	sshrl.u32 s18, $0x2;
	s14 =	sadd.s32 s20, s3;
	[dreg:$0x13] =	wrdreg s31  }
0x18: {  	s0 =	sadd.s32 $0x24900, s4;
	s6 =	sadd.s32 s6, s4;
	[dreg:$0xb] =	wrdreg s14  }
0x19: {  	s23 =	sadd.s32 s15, s19;
	s0 =	sshrl.u32 @!p2 s0, $0x3;
	[dreg:$0xd] =	wrdreg s6  }
0x1a: {  	s24 =	sshrl.u32 s23, $0x3;
	s6 =	sadd.s32 s22, s4;
	[dreg:$0x15] =	wrdreg s0  }
0x1b: {  	s26 =	sadd.s32 $0x8C00, s7;
	s0 =	simm.s32 $0x50;
	[dreg:$0xe] =	wrdreg s6  }
0x1c: {  	s6 =	sadd.s32 s2, s24;
	s2 =	sadd.s32 s2, s25;
	s24 =	sshrl.u32 @!p3 s8, $0x3  }
0x1d: {  	s25 =	sadd.s32 $0x7800, s7;
	[dreg:$0xf] =	wrdreg s6;
	s2 =	sadd.s32 $0x12480, s2  }
0x1e: {  	s6 =	sadd.s32 s15, s3;
	[dreg:$0x11] =	wrdreg s2;
	s2 =	sadd.s32 $0x92400, s3  }
0x1f: {  	s8 =	simm.s32 $0x4;
	s23 =	sshrl.u32 @!p0 s6, $0x3;
	s2 =	sshrl.u32 @p0 s2, $0x3  }
0x20: {  	v1 =	vimm.s32 $0x0;
	v2 =	vimm.f32 $0.0e+00;
	v3 =	vimm.f32 $1.000000000e+00;
	s6 =	simm.s32 $0x3;
	[dreg:$0x14] =	wrdreg s2;
	s2 =	simm.s32 $0x1  }
.LBB2_1:
0x21: {  	s11 =	rddreg [dreg:$0x6]  }
0x22: {  	[tilespmem:s5], [sflag:$0x6] =	stream.linear.gather [hbm4b:s11+s5], $0x4E20, $0x38;
	[tilespmem:$0x1A5E0] =	vst v63  }
0x23: {  	_ =	swait.ge [sflag:s28], $0x4E20  }
0x24: {  	[sflag:s28] =	ssyncset.done $0x0  }
0x25: {  	s12 =	simm.s32 $0x4EC0;
	s21 =	rddreg [dreg:$0x7];
	[sflag:s28] =	ssyncadd.s32 $0xFFFFB1E0  }
0x26: {  	[tilespmem:s12], [sflag:$0x6] =	stream.linear.gather [hbm4b:s21+s5], $0x4E20, $0x38;
	[tilespmem:$0x1A5E0] =	vst v63  }
0x27: {  	_ =	swait.ge [sflag:s28], $0x4E20  }
0x28: {  	[sflag:s28] =	ssyncset.done $0x0  }
0x29: {  	[sflag:s28] =	ssyncadd.s32 $0xFFFFB1E0  }
0x2a: {  	[tilespmem:$0x4E20] =	vst v1  }
0x2b: {  	[tilespmem:$0x4E30] =	vst v1  }
0x2c: {  	[tilespmem:$0x4E40] =	vst v1  }
0x2d: {  	v4 =	vld [tilespmem:$0x0];
	[tilespmem:$0x4E50] =	vst v1  }
0x2e: {  	v5 =	vld [tilespmem:$0x10];
	[tilespmem:$0x4E60] =	vst v1  }
0x2f: {  	v6 =	vld [tilespmem:$0x20];
	[tilespmem:$0x4E70] =	vst v1  }
0x30: {  	v7 =	vld [tilespmem:$0x30];
	[tilespmem:$0x4E80] =	vst v1  }
0x31: {  	v8 =	vld [tilespmem:$0x40];
	[tilespmem:$0x4E90] =	vst v1  }
0x32: {  	v9 =	vld [tilespmem:$0x50];
	[tilespmem:$0x4EA0] =	vst v1;
	v4 =	vshll.u32 v4, $0x1  }
0x33: {  	v10 =	vld [tilespmem:$0x60];
	[tilespmem:$0x4EB0] =	vst v1;
	v5 =	vshll.u32 v5, $0x1;
	v4 =	vor.u32 v0, v4  }
0x34: {  	v61 =	vld [tilespmem:$0x70];
	[tilespmem:$0x0] =	vst v4;
	v4 =	vor.u32 v0, v5;
	v5 =	vshll.u32 v6, $0x1  }
0x35: {  	v62 =	vld [tilespmem:$0x80];
	[tilespmem:$0x10] =	vst v4;
	v4 =	vor.u32 v0, v5;
	v5 =	vshll.u32 v7, $0x1  }
0x36: {  	v63 =	vld [tilespmem:$0x90];
	[tilespmem:$0x20] =	vst v4;
	v4 =	vor.u32 v0, v5;
	v5 =	vshll.u32 v8, $0x1  }
0x37: {  	[tilespmem:$0x30] =	vst v4;
	v4 =	vor.u32 v0, v5;
	v5 =	vshll.u32 v9, $0x1  }
0x38: {  	[tilespmem:$0x40] =	vst v4;
	v4 =	vor.u32 v0, v5;
	v5 =	vshll.u32 v10, $0x1  }
0x39: {  	[tilespmem:$0x50] =	vst v4;
	v4 =	vor.u32 v0, v5;
	v5 =	vshll.u32 v61, $0x1  }
0x3a: {  	[tilespmem:$0x60] =	vst v4;
	v4 =	vor.u32 v0, v5;
	v5 =	vshll.u32 v62, $0x1  }
0x3b: {  	s22 =	sand.u32 $0x7F00, s5;
	[tilespmem:$0x70] =	vst v4;
	v4 =	vor.u32 v0, v5;
	v5 =	vshll.u32 v63, $0x1  }
0x3c: {  	s31 =	sand.u32 $0x30, s5;
	s13 =	sshrl.u32 s22, $0x2;
	[tilespmem:$0x80] =	vst v4;
	v4 =	vor.u32 v0, v5  }
0x3d: {  	s11 =	simm.s32 $0x40;
	s13 =	sor.u32 s31, s13;
	s12 =	simm.s32 $0x0;
	[tilespmem:$0x90] =	vst v4  }
.LBB2_2:
0x3e: {  	p4 =	sne.s32 s11, $0x4FC0  }
0x3f: {  	[tilespmem:s13+$0x9CE0] =	vst v2;
	s12 =	sadd.s32 $0x10, s12;
	s13 =	smov.u32 s11;
	s11 =	sadd.s32 $0x40, s11  }
.Ltmp0:
0x40: {  	(pc) =	sbr.rel @p4 .LBB2_2-.Ltmp0, $4  }
0x41: {  	_ = 	snop  }
0x42: {  	s13 =	sand.u32 $0x7F00, s13  }
0x43: {  	s14 =	sand.u32 $0x30, s12;
	s13 =	sshrl.u32 s13, $0x2  }
0x44: {  	s13 =	sor.u32 s14, s13  }
0x45: {  	[tilespmem:s13+$0x9CE0] =	vst v2;
	s11 =	simm.s32 $0x40;
	s12 =	simm.s32 $0x0  }
.LBB2_4:
0x46: {  	p4 =	sne.s32 s11, $0x4FC0;
	[tilespmem:s12+$0xC9E0] =	vst v2;
	s12 =	smov.u32 s11;
	s11 =	sadd.s32 $0x40, s11  }
.Ltmp1:
0x47: {  	(pc) =	sbr.rel @p4 .LBB2_4-.Ltmp1, $2  }
0x48: {  	_ =	sdelay $0x2  }
0x49: {  	s12 =	sshra.s32 s12, $0x2  }
0x4a: {  	[tilespmem:s12+$0xC9E0] =	vst v2;
	s11 =	simm.s32 $0x40;
	s12 =	simm.s32 $0x0  }
.LBB2_6:
0x4b: {  	p4 =	sne.s32 s11, $0x13C0;
	[tilespmem:s12+$0xC4E0] =	vst v3;
	s12 =	smov.u32 s11;
	s11 =	sadd.s32 $0x40, s11  }
.Ltmp2:
0x4c: {  	(pc) =	sbr.rel @p4 .LBB2_6-.Ltmp2, $2  }
0x4d: {  	_ =	sdelay $0x2  }
0x4e: {  	s12 =	sshra.s32 s12, $0x2  }
0x4f: {  	[tilespmem:s12+$0xC4E0] =	vst v3  }
0x50: {  	[spmem:s7] =	stream.linear.scatter [tilespmem:s30], [sflag:$0x6], $0x1400, $0x38;
	[tilespmem:$0x1A5E0] =	vst v63  }
0x51: {  	_ =	swait.ge [sflag:s28], $0x1400  }
0x52: {  	[sflag:s28] =	ssyncset.done $0x0  }
0x53: {  	s11 =	rddreg [dreg:$0x8];
	[sflag:s28] =	ssyncadd.s32 $0xFFFFEC00  }
0x54: {  	[spmem:s11] =	stream.linear.scatter [tilespmem:s30], [sflag:$0x6], $0x1400, $0x38;
	[tilespmem:$0x1A5E0] =	vst v63  }
0x55: {  	_ =	swait.ge [sflag:s28], $0x1400  }
0x56: {  	[sflag:s28] =	ssyncset.done $0x0  }
0x57: {  	s15 =	rddreg [dreg:$0x9];
	[sflag:s28] =	ssyncadd.s32 $0xFFFFEC00  }
0x58: {  	[spmem:s15] =	stream.linear.scatter [tilespmem:s30], [sflag:$0x6], $0x1400, $0x38;
	[tilespmem:$0x1A5E0] =	vst v63  }
0x59: {  	_ =	swait.ge [sflag:s28], $0x1400  }
0x5a: {  	[sflag:s28] =	ssyncset.done $0x0  }
0x5b: {  	s16 =	rddreg [dreg:$0xa];
	[sflag:s28] =	ssyncadd.s32 $0xFFFFEC00  }
0x5c: {  	[spmem:s16] =	stream.linear.scatter [tilespmem:s30], [sflag:$0x6], $0x1400, $0x38;
	[tilespmem:$0x1A5E0] =	vst v63  }
0x5d: {  	_ =	swait.ge [sflag:s28], $0x1400  }
0x5e: {  	[sflag:s28] =	ssyncset.done $0x0  }
0x5f: {  	s17 =	rddreg [dreg:$0xb];
	[sflag:s28] =	ssyncadd.s32 $0xFFFFEC00  }
0x60: {  	[spmem:s17] =	stream.linear.scatter [tilespmem:s30], [sflag:$0x6], $0x1400, $0x38;
	[tilespmem:$0x1A5E0] =	vst v63  }
0x61: {  	_ =	swait.ge [sflag:s28], $0x1400  }
0x62: {  	[sflag:s28] =	ssyncset.done $0x0  }
0x63: {  	s18 =	rddreg [dreg:$0xc];
	[sflag:s28] =	ssyncadd.s32 $0xFFFFEC00  }
0x64: {  	[spmem:s18] =	stream.linear.scatter [tilespmem:s30], [sflag:$0x6], $0x1400, $0x38;
	[tilespmem:$0x1A5E0] =	vst v63  }
0x65: {  	_ =	swait.ge [sflag:s28], $0x1400  }
0x66: {  	[sflag:s28] =	ssyncset.done $0x0  }
0x67: {  	[sflag:s28] =	ssyncadd.s32 $0xFFFFEC00  }
0x68: {  	[spmem:s25] =	stream.linear.scatter [tilespmem:s30], [sflag:$0x6], $0x1400, $0x38;
	[tilespmem:$0x1A5E0] =	vst v63  }
0x69: {  	_ =	swait.ge [sflag:s28], $0x1400  }
0x6a: {  	[sflag:s28] =	ssyncset.done $0x0  }
0x6b: {  	[sflag:s28] =	ssyncadd.s32 $0xFFFFEC00  }
0x6c: {  	[spmem:s26] =	stream.linear.scatter [tilespmem:s30], [sflag:$0x6], $0x1400, $0x38;
	[tilespmem:$0x1A5E0] =	vst v63  }
0x6d: {  	_ =	swait.ge [sflag:s28], $0x1400  }
0x6e: {  	[sflag:s28] =	ssyncset.done $0x0  }
0x6f: {  	s20 =	simm.s32 $0xC9E0;
	s19 =	rddreg [dreg:$0xd];
	[sflag:s28] =	ssyncadd.s32 $0xFFFFEC00  }
0x70: {  	[spmem:s19] =	stream.linear.scatter [tilespmem:s20], [sflag:$0x6], $0x1400, $0x38;
	[tilespmem:$0x1A5E0] =	vst v63  }
0x71: {  	_ =	swait.ge [sflag:s28], $0x1400  }
0x72: {  	[sflag:s28] =	ssyncset.done $0x0  }
0x73: {  	s21 =	rddreg [dreg:$0xe];
	[sflag:s28] =	ssyncadd.s32 $0xFFFFEC00  }
0x74: {  	[spmem:s21] =	stream.linear.scatter [tilespmem:s20], [sflag:$0x6], $0x1400, $0x38;
	[tilespmem:$0x1A5E0] =	vst v63  }
0x75: {  	_ =	swait.ge [sflag:s28], $0x1400  }
0x76: {  	[sflag:s28] =	ssyncset.done $0x0  }
0x77: {  	s22 =	simm.s32 $0x0;
	[sflag:s28] =	ssyncadd.s32 $0xFFFFEC00  }
0x78: {  	[tilespmem:s30], [sflag:$0x1] =	stream.indirect.gather [hbm4b:s1+s0], $0x40, s22, s0, $0xb8;
	[tilespmem:$0x1A5E0] =	vst v63  }
0x79: {  	_ = 	snop  }
0x7a: {  	[tilespmem:s29], [sflag:$0x2] =	stream.indirect.gather [hbm4b:s1+s0], $0x40, s0, s0, $0xb8;
	[tilespmem:$0x1A5E0] =	vst v63  }
0x7b: {  	[bflag:$0x0] =	sbarrier.arrive $0xFFFF  }
0x7c: {  	_ =	swait.ge [sflag:s2], $0x1400  }
0x7d: {  	[sflag:s2] =	ssyncset.done $0x0  }
0x7e: {  	s11 =	simm.s32 @p1 $0x2;
	s17 =	simm.s32 $0x4EC0;
	[sflag:s2] =	ssyncadd.s32 $0xFFFFEC00  }
0x7f: {  	[spmem:s3] =	stream.indirect.scatter.add.f32 [tilespmem:s30], [sflag:$0x3], $0x40, s17, s0, $0xb8;
	[tilespmem:$0x1A5E0] =	vst v63  }
0x80: {  	_ =	swait.ge @p1 [sflag:s11], $0x1400  }
0x81: {  	s12 =	simm.s32 @p1 $0xB0E0;
	[sflag:s11] =	ssyncset.done @p1 $0x0  }
0x82: {  	s14 =	simm.s32 @p1 $0x4F10;
	s13 =	simm.s32 @p1 $0x50;
	[sflag:s11] =	ssyncadd.s32 @p1 $0xFFFFEC00  }
0x83: {  	[spmem:s3] =	stream.indirect.scatter.add.f32 @p1 [tilespmem:s12], [sflag:$0x4], $0x40, s14, s13, $0xb8;
	[tilespmem:$0x1A5E0] =	vst v63  }
0x84: {  	s15 =	simm.s32 @!p1 $0xC4E0;
	s16 =	simm.s32 @!p1 $0x2;
	s14 =	simm.s32 @!p1 $0x50  }
0x85: {  	[spmem:s4] =	stream.indirect.scatter.add.f32 @!p1 [tilespmem:s15], [sflag:$0x5], $0x10, s17, s14, $0xb8;
	[tilespmem:$0x1A5E0] =	vst v63  }
0x86: {  	_ =	swait.ge @!p1 [sflag:s16], $0x1400  }
0x87: {  	[sflag:s16] =	ssyncset.done @!p1 $0x0  }
0x88: {  	s19 =	simm.s32 @!p1 $0x4F10;
	s17 =	simm.s32 @!p1 $0xB0E0;
	[sflag:s16] =	ssyncadd.s32 @!p1 $0xFFFFEC00  }
0x89: {  	[spmem:s3] =	stream.indirect.scatter.add.f32 @!p1 [tilespmem:s17], [sflag:$0x4], $0x40, s19, s14, $0xb8;
	[tilespmem:$0x1A5E0] =	vst v63  }
0x8a: {  	s18 =	simm.s32 $0x0  }
0x8b: {  	[spmem:s4] =	stream.indirect.scatter.add.f32 @!p1 [tilespmem:s15], [sflag:$0x5], $0x10, s19, s14, $0xb8;
	[tilespmem:$0x1A5E0] =	vst v63  }
0x8c: {  	v4 =	vld [tilespmem:s18+$0xD0]  }
0x8d: {  	v5 =	vld [tilespmem:s18+$0xB0]  }
0x8e: {  	v6 =	vld [tilespmem:s18+$0xA0]  }
0x8f: {  	v7 =	vld [tilespmem:s18+$0xC0]  }
0x90: {  	v8 =	vld [tilespmem:s18+$0xE0]  }
0x91: {  	v4 =	vshll.u32 v4, $0x1  }
0x92: {  	v5 =	vshll.u32 v5, $0x1;
	v4 =	vor.u32 v0, v4  }
0x93: {  	v6 =	vshll.u32 v6, $0x1;
	v5 =	vor.u32 v0, v5;
	[tilespmem:s18+$0xD0] =	vst v4  }
0x94: {  	v4 =	vor.u32 v0, v6;
	[tilespmem:s18+$0xB0] =	vst v5;
	v5 =	vshll.u32 v7, $0x1  }
0x95: {  	[tilespmem:s18+$0xA0] =	vst v4;
	v4 =	vor.u32 v0, v5;
	v5 =	vshll.u32 v8, $0x1  }
0x96: {  	[tilespmem:s18+$0xC0] =	vst v4;
	v4 =	vor.u32 v0, v5  }
0x97: {  	[tilespmem:s18+$0xE0] =	vst v4  }
0x98: {  	_ =	swait.ge [sflag:s6], $0x1400  }
0x99: {  	[sflag:s6] =	ssyncset.done $0x0  }
0x9a: {  	s31 =	simm.s32 $0xA0;
	[sflag:s6] =	ssyncadd.s32 $0xFFFFEC00  }
0x9b: {  	[tilespmem:s30], [sflag:$0x1] =	stream.indirect.gather [hbm4b:s1+s0], $0x40, s31, s0, $0xb8;
	[tilespmem:$0x1A5E0] =	vst v63  }
0x9c: {  	v4 =	vld [tilespmem:s18+$0x130]  }
0x9d: {  	v5 =	vld [tilespmem:s18+$0xF0]  }
0x9e: {  	v60 =	vld [tilespmem:s18+$0x110]  }
0x9f: {  	v61 =	vld [tilespmem:s18+$0x120]  }
0xa0: {  	v62 =	vld [tilespmem:s18+$0x100]  }
0xa1: {  	v4 =	vshll.u32 v4, $0x1  }
0xa2: {  	v5 =	vshll.u32 v5, $0x1;
	v4 =	vor.u32 v0, v4  }
0xa3: {  	v6 =	vshll.u32 v60, $0x1;
	v5 =	vor.u32 v0, v5;
	[tilespmem:s18+$0x130] =	vst v4  }
0xa4: {  	[tilespmem:s18+$0xF0] =	vst v5;
	v4 =	vor.u32 v0, v6;
	v5 =	vshll.u32 v61, $0x1  }
0xa5: {  	v63 =	vshll.u32 v62, $0x1;
	[tilespmem:s18+$0x110] =	vst v4;
	v4 =	vor.u32 v0, v5  }
0xa6: {  	v5 =	vor.u32 v0, v63;
	[tilespmem:s18+$0x120] =	vst v4  }
0xa7: {  	s19 =	simm.s32 $0x280;
	[tilespmem:s18+$0x100] =	vst v5  }
.LBB2_8:
0xa8: {  	_ =	swait.ge [sflag:s8], $0x1400;
	s21 =	smov.u32 s19;
	s19 =	sadd.s32 $0x280, s19  }
0xa9: {  	p4 =	sne.s32 s19, $0x13880;
	[sflag:s8] =	ssyncset.done $0x0  }
0xaa: {  	s18 =	sadd.s32 $0xF0, s18;
	s20 =	simm.s32 @!p1 $0x5;
	[sflag:s8] =	ssyncadd.s32 $0xFFFFEC00  }
0xab: {  	[tilespmem:s29], [sflag:$0x2] =	stream.indirect.gather [hbm4b:s1+s0], $0x40, s18, s0, $0xb8;
	[tilespmem:$0x1A5E0] =	vst v63  }
0xac: {  	_ =	swait.ge @!p1 [sflag:s20], $0x500  }
0xad: {  	[sflag:s20] =	ssyncset.done @!p1 $0x0  }
0xae: {  	[sflag:s20] =	ssyncadd.s32 @!p1 $0xFFFFFB00  }
0xaf: {  	_ =	swait.ge @!p1 [sflag:s20], $0x500  }
0xb0: {  	[sflag:s20] =	ssyncset.done @!p1 $0x0  }
0xb1: {  	[sflag:s20] =	ssyncadd.s32 @!p1 $0xFFFFFB00  }
0xb2: {  	_ =	swait.ge [sflag:s2], $0x1400  }
0xb3: {  	s18 =	sshra.s32 s21, $0x2;
	[sflag:s2] =	ssyncset.done $0x0  }
0xb4: {  	s22 =	sadd.s32 $0x4EC0, s18;
	[sflag:s2] =	ssyncadd.s32 $0xFFFFEC00  }
0xb5: {  	[spmem:s3] =	stream.indirect.scatter.add.f32 [tilespmem:s30], [sflag:$0x3], $0x40, s22, s0, $0xb8;
	[tilespmem:$0x1A5E0] =	vst v63  }
0xb6: {  	_ =	swait.ge @p1 [sflag:s11], $0x1400  }
0xb7: {  	s31 =	sshra.s32 @p1 s21, $0x2;
	[sflag:s11] =	ssyncset.done @p1 $0x0  }
0xb8: {  	s31 =	sadd.s32 @p1 $0x4F10, s31;
	[sflag:s11] =	ssyncadd.s32 @p1 $0xFFFFEC00  }
0xb9: {  	[spmem:s3] =	stream.indirect.scatter.add.f32 @p1 [tilespmem:s12], [sflag:$0x4], $0x40, s31, s13, $0xb8;
	[tilespmem:$0x1A5E0] =	vst v63  }
0xba: {  	_ = 	snop  }
0xbb: {  	[spmem:s4] =	stream.indirect.scatter.add.f32 @!p1 [tilespmem:s15], [sflag:$0x5], $0x10, s22, s14, $0xb8;
	[tilespmem:$0x1A5E0] =	vst v63  }
0xbc: {  	_ =	swait.ge @!p1 [sflag:s16], $0x1400  }
0xbd: {  	s21 =	sshra.s32 @!p1 s21, $0x2;
	[sflag:s16] =	ssyncset.done @!p1 $0x0  }
0xbe: {  	s21 =	sadd.s32 @!p1 $0x4F10, s21;
	[sflag:s16] =	ssyncadd.s32 @!p1 $0xFFFFEC00  }
0xbf: {  	[spmem:s3] =	stream.indirect.scatter.add.f32 @!p1 [tilespmem:s17], [sflag:$0x4], $0x40, s21, s14, $0xb8;
	[tilespmem:$0x1A5E0] =	vst v63  }
0xc0: {  	_ = 	snop  }
0xc1: {  	[spmem:s4] =	stream.indirect.scatter.add.f32 @!p1 [tilespmem:s15], [sflag:$0x5], $0x10, s21, s14, $0xb8;
	[tilespmem:$0x1A5E0] =	vst v63  }
0xc2: {  	v4 =	vld [tilespmem:s18+$0xD0]  }
0xc3: {  	v5 =	vld [tilespmem:s18+$0xB0]  }
0xc4: {  	v6 =	vld [tilespmem:s18+$0xA0]  }
0xc5: {  	v7 =	vld [tilespmem:s18+$0xC0]  }
0xc6: {  	v8 =	vld [tilespmem:s18+$0xE0]  }
0xc7: {  	v4 =	vshll.u32 v4, $0x1  }
0xc8: {  	v5 =	vshll.u32 v5, $0x1;
	v4 =	vor.u32 v0, v4  }
0xc9: {  	v6 =	vshll.u32 v6, $0x1;
	v5 =	vor.u32 v0, v5;
	[tilespmem:s18+$0xD0] =	vst v4  }
0xca: {  	v4 =	vor.u32 v0, v6;
	[tilespmem:s18+$0xB0] =	vst v5;
	v5 =	vshll.u32 v7, $0x1  }
0xcb: {  	[tilespmem:s18+$0xA0] =	vst v4;
	v4 =	vor.u32 v0, v5;
	v5 =	vshll.u32 v8, $0x1  }
0xcc: {  	[tilespmem:s18+$0xC0] =	vst v4;
	v4 =	vor.u32 v0, v5  }
0xcd: {  	[tilespmem:s18+$0xE0] =	vst v4  }
0xce: {  	_ =	swait.ge [sflag:s6], $0x1400  }
0xcf: {  	[sflag:s6] =	ssyncset.done $0x0  }
0xd0: {  	s21 =	sadd.s32 $0xA0, s18;
	[sflag:s6] =	ssyncadd.s32 $0xFFFFEC00  }
0xd1: {  	[tilespmem:s30], [sflag:$0x1] =	stream.indirect.gather [hbm4b:s1+s0], $0x40, s21, s0, $0xb8;
	[tilespmem:$0x1A5E0] =	vst v63  }
0xd2: {  	v4 =	vld [tilespmem:s18+$0x130]  }
0xd3: {  	v5 =	vld [tilespmem:s18+$0xF0]  }
0xd4: {  	v6 =	vld [tilespmem:s18+$0x110]  }
0xd5: {  	v7 =	vld [tilespmem:s18+$0x120]  }
0xd6: {  	v8 =	vld [tilespmem:s18+$0x100]  }
0xd7: {  	v4 =	vshll.u32 v4, $0x1  }
0xd8: {  	v5 =	vshll.u32 v5, $0x1;
	v4 =	vor.u32 v0, v4  }
.Ltmp3:
0xd9: {  	v5 =	vor.u32 v0, v5;
	v6 =	vshll.u32 v6, $0x1;
	[tilespmem:s18+$0x130] =	vst v4;
	(pc) =	sbr.rel @p4 .LBB2_8-.Ltmp3, $4  }
0xda: {  	[tilespmem:s18+$0xF0] =	vst v5;
	v4 =	vor.u32 v0, v6;
	v5 =	vshll.u32 v7, $0x1  }
0xdb: {  	v6 =	vshll.u32 v8, $0x1;
	[tilespmem:s18+$0x110] =	vst v4;
	v4 =	vor.u32 v0, v5  }
0xdc: {  	v5 =	vor.u32 v0, v6;
	[tilespmem:s18+$0x120] =	vst v4  }
0xdd: {  	[tilespmem:s18+$0x100] =	vst v5  }
0xde: {  	_ =	swait.ge [sflag:s8], $0x1400  }
0xdf: {  	[sflag:s8] =	ssyncset.done $0x0  }
0xe0: {  	s11 =	sadd.s32 $0xF0, s18;
	[sflag:s8] =	ssyncadd.s32 $0xFFFFEC00  }
0xe1: {  	[tilespmem:s29], [sflag:$0x2] =	stream.indirect.gather [hbm4b:s1+s0], $0x40, s11, s0, $0xb8;
	[tilespmem:$0x1A5E0] =	vst v63  }
0xe2: {  	_ =	swait.ge @!p1 [sflag:s20], $0x500  }
0xe3: {  	[sflag:s20] =	ssyncset.done @!p1 $0x0  }
0xe4: {  	[sflag:s20] =	ssyncadd.s32 @!p1 $0xFFFFFB00  }
0xe5: {  	_ =	swait.ge @!p1 [sflag:s20], $0x500  }
0xe6: {  	[sflag:s20] =	ssyncset.done @!p1 $0x0  }
0xe7: {  	[sflag:s20] =	ssyncadd.s32 @!p1 $0xFFFFFB00  }
0xe8: {  	_ =	swait.ge [sflag:s2], $0x1400  }
0xe9: {  	[sflag:s2] =	ssyncset.done $0x0  }
0xea: {  	[sflag:s2] =	ssyncadd.s32 $0xFFFFEC00  }
0xeb: {  	_ =	swait.ge [sflag:s9], $0x1400  }
0xec: {  	[sflag:s9] =	ssyncset.done $0x0  }
0xed: {  	[sflag:s9] =	ssyncadd.s32 $0xFFFFEC00  }
0xee: {  	[bflag:$0x0] =	sbarrier.arrive $0xFFFF  }
0xef: {  	s12 =	rddreg [dreg:$0x11]  }
0xf0: {  	s11 =	simm.s32 @p0 $0x1FC6;
	s13 =	rddreg [dreg:$0x14]  }
0xf1: {  	[hbm:s12], [sflag:s11] =	dma.local @p0 [spmem:s13], $0x1400  }
0xf2: {  	s12 =	simm.s32 @p0 $0x6  }
0xf3: {  	_ =	swait.ge @p0 [sflag:s12], $0x1400  }
0xf4: {  	[sflag:s12] =	ssyncset.done @p0 $0x0;
	s13 =	rddreg [dreg:$0x15]  }
0xf5: {  	[sflag:s12] =	ssyncadd.s32 @p0 $0xFFFFEC00;
	s12 =	rddreg [dreg:$0x12]  }
0xf6: {  	[hbm:s12], [sflag:s11] =	dma.local @!p2 [spmem:s13], $0x500  }
0xf7: {  	s11 =	simm.s32 @!p2 $0x6  }
0xf8: {  	s12 =	stileid.u32;
	_ =	swait.ge @!p2 [sflag:s11], $0x500  }
0xf9: {  	s12 =	sshll.u32 @!p0 s12, $0x6;
	[sflag:s11] =	ssyncset.done @!p2 $0x0  }
0xfa: {  	[sflag:s11] =	ssyncadd.s32 @!p2 $0xFFFFFB00;
	s11 =	sor.u32 @!p0 $0x1C06, s12;
	s12 =	rddreg [dreg:$0xf]  }
0xfb: {  	[hbm:s12], [sflag:s11] =	dma.local @!p0 [spmem:s23], $0x1380  }
0xfc: {  	s12 =	simm.s32 @!p0 $0x6  }
0xfd: {  	_ =	swait.ge @!p0 [sflag:s12], $0x1380  }
0xfe: {  	[sflag:s12] =	ssyncset.done @!p0 $0x0  }
0xff: {  	[sflag:s12] =	ssyncadd.s32 @!p0 $0xFFFFEC80;
	s12 =	rddreg [dreg:$0x10]  }
0x100: {  	[hbm:s12], [sflag:s11] =	dma.local @!p3 [spmem:s24], $0x4E0  }
0x101: {  	s11 =	simm.s32 @!p3 $0x6  }
0x102: {  	_ =	swait.ge @!p3 [sflag:s11], $0x4E0  }
0x103: {  	s10 =	sadd.s32 $0x1, s10;
	s31 =	rddreg [dreg:$0x13]  }
0x104: {  	p4 =	sne.s32 s10, s31  }
.Ltmp4:
0x105: {  	_ = 	snop;
	(pc) =	sbr.rel @p4 .LBB2_1-.Ltmp4, $3  }
0x106: {  	_ =	sdelay $0x1  }
0x107: {  	[sflag:s11] =	ssyncset.done @!p3 $0x0  }
0x108: {  	[sflag:s11] =	ssyncadd.s32 @!p3 $0xFFFFFB20  }
0x109: {  	_ =	sfence.sel $0x180000  }
0x10a: {  	[bflag:$0x0] =	sbarrier.arrive $0xFFFF  }
0x10b: {  	_ =	strace $0x90000047  }
0x10c: {  	s0 =	stileid.u32;
	[bflag:$0x2] =	sbarrier.arrive $0xFFFF  }
0x10d: {  	p0 =	sne.s32 s0, $0x0;
	s0 =	rddreg [dreg:$0x5]  }
0x10e: {  	s0 =	sadd.s32 @!p0 $0x100000, s0  }
0x10f: {  	[sflag:s0] =	ssyncadd.tile.s32 @!p0 $0x1;
	_ =	shalt  }
.Lfunc_end2:
_tile_overlayer_lowered:
.L_overlay_start_2:
0x110: {  	(tag) =	ssettag $0x2  }
0x111: {  	s0 =	rddreg [dreg:$0x0];
	s2 =	stileid.u32  }
0x112: {  	s1 =	rddreg [dreg:$0x1];
	p0 =	sne.s32 s2, $0x0  }
0x113: {  	s3 =	rddreg [dreg:$0x2];
	[bflag:$0x3] =	sbarrier.arrive $0xFFFF;
	s2 =	simm.s32 @!p0 $0x1C06  }
0x114: {  	[timem:s3], [sflag:s2] =	dma.local @!p0 [hbm:s0], s1  }
0x115: {  	s0 =	simm.s32 @!p0 $0x6  }
0x116: {  	_ =	swait.ge @!p0 [sflag:s0], s1  }
0x117: {  	s1 =	ssub.s32 @!p0 $0x0, s1;
	[sflag:s0] =	ssyncset.done @!p0 $0x0  }
0x118: {  	[sflag:s0] =	ssyncadd.s32 @!p0 s1  }
0x119: {  	[bflag:$0x3] =	sbarrier.arrive $0xFFFF  }
0x11a: {  	_ =	shalt  }

</sc_bundles>
